<compile_context>
chip_gen: v7x
topology: tpu7x:2x2x1
jax: 0.10.2.dev20260603
libtpu: 0.0.44.dev20260713+nightly
codegen_flags: <defaults>
</compile_context>

<pallas_src>
import jax
import jax.numpy as jnp
from jax import lax
from jax.experimental import pallas as pl
from jax.experimental.pallas import tpu as pltpu
from jax.experimental.pallas import tpu_sc as plsc

_N = 100000
_LL = 10
_ED = 16
_OUT_D = _ED + 2 + _LL

_NW = 32
_NC = 2
_CNT = 1568
_SPAN = _NC * _CNT


def _body(an_hbm, nu_hbm, l_hbm, llt_hbm, tab_hbm, out_hbm,
          idx_vs, tab_v, out_vs, sem_a, sem, sem_o):
    wid = lax.axis_index("s") * 2 + lax.axis_index("c")
    t = wid * (_N // _NW)
    wbase = pl.multiple_of(jnp.minimum(t - lax.rem(t, 8), _N - _SPAN), 8)

    d_tab = pltpu.async_copy(tab_hbm, tab_v, sem)

    iota = lax.iota(jnp.int32, 16)
    rowc = [jnp.full((16,), f, jnp.int32) for f in range(_ED)]

    bases = [pl.multiple_of(wbase + k * _CNT, 8) for k in range(_NC)]
    an_descs = [
        pltpu.async_copy(an_hbm.at[pl.ds(bases[k], _CNT)], idx_vs[k], sem_a)
        for k in range(_NC)
    ]
    in_descs = []
    for k in range(_NC):
        in_descs.append([
            pltpu.async_copy(nu_hbm.at[:, pl.ds(bases[k], _CNT)],
                             out_vs[k].at[pl.ds(_ED, 1)], sem),
            pltpu.async_copy(l_hbm.at[:, pl.ds(bases[k], _CNT)],
                             out_vs[k].at[pl.ds(_ED + 1, 1)], sem),
            pltpu.async_copy(llt_hbm.at[:, pl.ds(bases[k], _CNT)],
                             out_vs[k].at[pl.ds(_ED + 2, _LL)], sem),
        ])
    d_tab.wait()

    out_descs = [None] * _NC
    for k in range(_NC):
        out_v = out_vs[k]
        idx_v = idx_vs[k]
        an_descs[k].wait()

        @plsc.parallel_loop(0, _CNT, step=16, unroll=1)
        def vec_body(i):
            rows = iota + i
            an = plsc.load_gather(idx_v, [rows])
            for f in range(_ED):
                v = plsc.load_gather(tab_v, [an, rowc[f]])
                plsc.store_scatter(out_v, [rowc[f], rows], v)

        for d in in_descs[k]:
            d.wait()

        out_descs[k] = pltpu.async_copy(
            out_v, out_hbm.at[:, pl.ds(bases[k], _CNT)], sem_o
        )

    for d in out_descs:
        d.wait()


@jax.jit
def _node_feat(an, nu2, l2, llt, tab):
    mesh = plsc.VectorSubcoreMesh(core_axis_name="c", subcore_axis_name="s")
    run = pl.kernel(
        _body,
        out_type=jax.ShapeDtypeStruct((_OUT_D, _N), jnp.float32),
        mesh=mesh,
        scratch_types=[
            [pltpu.VMEM((_CNT,), jnp.int32) for _ in range(_NC)],
            pltpu.VMEM((10, _ED), jnp.float32),
            [pltpu.VMEM((_OUT_D, _CNT), jnp.float32) for _ in range(_NC)],
            pltpu.SemaphoreType.DMA,
            pltpu.SemaphoreType.DMA,
            pltpu.SemaphoreType.DMA,
        ],
        compiler_params=pltpu.CompilerParams(
            use_tc_tiling_on_sc=False,
            needs_layout_passes=False,
            disable_bounds_checks=True,
            disable_semaphore_checks=True,
            skip_device_barrier=True,
        ),
    )
    return run(an, nu2, l2, llt, tab)


def kernel(atomic_numbers, max_nu, max_l, l_list, emb_table):
    out_t = _node_feat(
        atomic_numbers,
        max_nu.reshape(1, _N),
        max_l.reshape(1, _N),
        l_list.T,
        emb_table,
    )
    return out_t.T

# --- scband reference (transcript-rebuilt; emitter-appended) ---
"""Pipeline reference for scband-node-feature-builder-22067541967623 (READ-ONLY COPY).

The authoritative reference and input builder live on the scoring server;
editing this copy changes nothing except your own understanding.
"""

import jax, jax.numpy as jnp
import numpy as np

N = 100000
L_LIST_DIM = 10
ATOMIC_EMB_DIM = 16
NUM_EMB = 10

def setup_inputs(seed: int = 0) -> dict:
    key = jax.random.key(seed)
    k1, k2, k3, k4, k5 = jax.random.split(key, 5)
    atomic_numbers = jax.random.randint(k1, (N,), 0, NUM_EMB)
    max_nu = jax.random.normal(k2, (N,), dtype=jnp.float32)
    max_l = jax.random.normal(k3, (N,), dtype=jnp.float32)
    l_list = jax.random.normal(k4, (N, L_LIST_DIM), dtype=jnp.float32)
    emb_table = jax.random.normal(k5, (NUM_EMB, ATOMIC_EMB_DIM), dtype=jnp.float32)
    return {
        "atomic_numbers": atomic_numbers,
        "max_nu": max_nu,
        "max_l": max_l,
        "l_list": l_list,
        "emb_table": emb_table,
    }

def reference(atomic_numbers, max_nu, max_l, l_list, emb_table):
    # nn.Embedding lookup -> row gather from table
    atomic_embeds = jnp.take(emb_table, atomic_numbers, axis=0)
    # unsqueeze(1) on max_nu / max_l, then concat along feature dim
    node_feat = jnp.concatenate(
        [atomic_embeds, max_nu[:, None], max_l[:, None], l_list], axis=1
    )
    return node_feat

if __name__ == "__main__":
    import jax
    _d = setup_inputs()
    print(jax.jit(kernel)(*tuple(_d.values())))

</pallas_src>

<mosaic_0001>
#map = affine_map<(d0, d1) -> (0)>
#map1 = affine_map<(d0, d1) -> (0, 0)>
module attributes {stable_mosaic.version = 14 : i64} {
  func.func @_body(%arg0: i32, %arg1: i32, %arg2: memref<100000xi32, #tpu.memory_space<hbm>>, %arg3: memref<1x100000xf32, #tpu.memory_space<hbm>>, %arg4: memref<1x100000xf32, #tpu.memory_space<hbm>>, %arg5: memref<10x100000xf32, #tpu.memory_space<hbm>>, %arg6: memref<10x16xf32, #tpu.memory_space<hbm>>, %arg7: memref<28x100000xf32, #tpu.memory_space<hbm>>, %arg8: memref<1568xi32, #tpu.memory_space<vmem>>, %arg9: memref<1568xi32, #tpu.memory_space<vmem>>, %arg10: memref<10x16xf32, #tpu.memory_space<vmem>>, %arg11: memref<28x1568xf32, #tpu.memory_space<vmem>>, %arg12: memref<28x1568xf32, #tpu.memory_space<vmem>>, %arg13: memref<!tpu.dma_semaphore, #tpu.memory_space<semaphore_mem>>, %arg14: memref<!tpu.dma_semaphore, #tpu.memory_space<semaphore_mem>>, %arg15: memref<!tpu.dma_semaphore, #tpu.memory_space<semaphore_mem>>) attributes {dimension_semantics = [#tpu.dimension_semantics<core_parallel>, #tpu.dimension_semantics<subcore_parallel>], iteration_bounds = array<i64: 2, 16>, scalar_prefetch = 0 : i64, scratch_operands = 8 : i64, tpu.core_type = #tpu.core_type<sc_vector_subcore>, window_params = [{transform_indices = #map}, {transform_indices = #map1}, {transform_indices = #map1}, {transform_indices = #map1}, {transform_indices = #map1}, {transform_indices = #map1}]} {
    %mul3A = arith.constant 2 : i32
    %mul3A_0 = arith.muli %arg1, %mul3A : i32
    %add3A = arith.addi %mul3A_0, %arg0 : i32
    %mul3A_1 = arith.constant 3125 : i32
    %mul3A_2 = arith.muli %add3A, %mul3A_1 : i32
    %rem3A = arith.constant 8 : i32
    %rem3A_3 = arith.remsi %mul3A_2, %rem3A : i32
    %sub3A = arith.subi %mul3A_2, %rem3A_3 : i32
    %min3A = arith.constant 96864 : i32
    %min3A_4 = arith.minsi %sub3A, %min3A : i32
    %multiple_of3A = tpu.assume_multiple %min3A_4, 8 : i32
    tpu.enqueue_dma source(%arg6 : memref<10x16xf32, #tpu.memory_space<hbm>>) target(%arg10 : memref<10x16xf32, #tpu.memory_space<vmem>>) target_semaphore(%arg14 : memref<!tpu.dma_semaphore, #tpu.memory_space<semaphore_mem>>)
    %iota3A = tpu.iota {dimensions = array<i32: 0>} : vector<16xi32>
    %broadcast_in_dim3A = arith.constant 0 : i32
    %broadcast_in_dim3A_5 = vector.broadcast %broadcast_in_dim3A : i32 to vector<16xi32>
    %broadcast_in_dim3A_6 = arith.constant 1 : i32
    %broadcast_in_dim3A_7 = vector.broadcast %broadcast_in_dim3A_6 : i32 to vector<16xi32>
    %broadcast_in_dim3A_8 = arith.constant 2 : i32
    %broadcast_in_dim3A_9 = vector.broadcast %broadcast_in_dim3A_8 : i32 to vector<16xi32>
    %broadcast_in_dim3A_10 = arith.constant 3 : i32
    %broadcast_in_dim3A_11 = vector.broadcast %broadcast_in_dim3A_10 : i32 to vector<16xi32>
    %broadcast_in_dim3A_12 = arith.constant 4 : i32
    %broadcast_in_dim3A_13 = vector.broadcast %broadcast_in_dim3A_12 : i32 to vector<16xi32>
    %broadcast_in_dim3A_14 = arith.constant 5 : i32
    %broadcast_in_dim3A_15 = vector.broadcast %broadcast_in_dim3A_14 : i32 to vector<16xi32>
    %broadcast_in_dim3A_16 = arith.constant 6 : i32
    %broadcast_in_dim3A_17 = vector.broadcast %broadcast_in_dim3A_16 : i32 to vector<16xi32>
    %broadcast_in_dim3A_18 = arith.constant 7 : i32
    %broadcast_in_dim3A_19 = vector.broadcast %broadcast_in_dim3A_18 : i32 to vector<16xi32>
    %broadcast_in_dim3A_20 = arith.constant 8 : i32
    %broadcast_in_dim3A_21 = vector.broadcast %broadcast_in_dim3A_20 : i32 to vector<16xi32>
    %broadcast_in_dim3A_22 = arith.constant 9 : i32
    %broadcast_in_dim3A_23 = vector.broadcast %broadcast_in_dim3A_22 : i32 to vector<16xi32>
    %broadcast_in_dim3A_24 = arith.constant 10 : i32
    %broadcast_in_dim3A_25 = vector.broadcast %broadcast_in_dim3A_24 : i32 to vector<16xi32>
    %broadcast_in_dim3A_26 = arith.constant 11 : i32
    %broadcast_in_dim3A_27 = vector.broadcast %broadcast_in_dim3A_26 : i32 to vector<16xi32>
    %broadcast_in_dim3A_28 = arith.constant 12 : i32
    %broadcast_in_dim3A_29 = vector.broadcast %broadcast_in_dim3A_28 : i32 to vector<16xi32>
    %broadcast_in_dim3A_30 = arith.constant 13 : i32
    %broadcast_in_dim3A_31 = vector.broadcast %broadcast_in_dim3A_30 : i32 to vector<16xi32>
    %broadcast_in_dim3A_32 = arith.constant 14 : i32
    %broadcast_in_dim3A_33 = vector.broadcast %broadcast_in_dim3A_32 : i32 to vector<16xi32>
    %broadcast_in_dim3A_34 = arith.constant 15 : i32
    %broadcast_in_dim3A_35 = vector.broadcast %broadcast_in_dim3A_34 : i32 to vector<16xi32>
    %add3A_36 = arith.constant 0 : i32
    %add3A_37 = arith.addi %multiple_of3A, %add3A_36 : i32
    %multiple_of3A_38 = tpu.assume_multiple %add3A_37, 8 : i32
    %add3A_39 = arith.constant 1568 : i32
    %add3A_40 = arith.addi %multiple_of3A, %add3A_39 : i32
    %multiple_of3A_41 = tpu.assume_multiple %add3A_40, 8 : i32
    %dma_start3A = tpu.memref_slice %arg2[%multiple_of3A_38] : memref<100000xi32, #tpu.memory_space<hbm>> -> memref<1568xi32, #tpu.memory_space<hbm>>
    %dma_start3A_42 = tpu.memref_slice %arg2[%multiple_of3A_38] : memref<100000xi32, #tpu.memory_space<hbm>> -> memref<1568xi32, #tpu.memory_space<hbm>>
    tpu.enqueue_dma source(%dma_start3A_42 : memref<1568xi32, #tpu.memory_space<hbm>>) target(%arg8 : memref<1568xi32, #tpu.memory_space<vmem>>) target_semaphore(%arg13 : memref<!tpu.dma_semaphore, #tpu.memory_space<semaphore_mem>>)
    %dma_start3A_43 = tpu.memref_slice %arg2[%multiple_of3A_41] : memref<100000xi32, #tpu.memory_space<hbm>> -> memref<1568xi32, #tpu.memory_space<hbm>>
    %dma_start3A_44 = tpu.memref_slice %arg2[%multiple_of3A_41] : memref<100000xi32, #tpu.memory_space<hbm>> -> memref<1568xi32, #tpu.memory_space<hbm>>
    tpu.enqueue_dma source(%dma_start3A_44 : memref<1568xi32, #tpu.memory_space<hbm>>) target(%arg9 : memref<1568xi32, #tpu.memory_space<vmem>>) target_semaphore(%arg13 : memref<!tpu.dma_semaphore, #tpu.memory_space<semaphore_mem>>)
    %dma_start3A_45 = arith.constant 16 : i32
    %dma_start3A_46 = arith.constant 0 : i32
    %dma_start3A_47 = tpu.memref_slice %arg11[%dma_start3A_45, %dma_start3A_46] : memref<28x1568xf32, #tpu.memory_space<vmem>> -> memref<1x1568xf32, #tpu.memory_space<vmem>>
    %dma_start3A_48 = arith.constant 0 : i32
    %dma_start3A_49 = tpu.memref_slice %arg3[%dma_start3A_48, %multiple_of3A_38] : memref<1x100000xf32, #tpu.memory_space<hbm>> -> memref<1x1568xf32, #tpu.memory_space<hbm>>
    %dma_start3A_50 = arith.constant 16 : i32
    %dma_start3A_51 = arith.constant 0 : i32
    %dma_start3A_52 = tpu.memref_slice %arg11[%dma_start3A_50, %dma_start3A_51] : memref<28x1568xf32, #tpu.memory_space<vmem>> -> memref<1x1568xf32, #tpu.memory_space<vmem>>
    %dma_start3A_53 = arith.constant 0 : i32
    %dma_start3A_54 = tpu.memref_slice %arg3[%dma_start3A_53, %multiple_of3A_38] : memref<1x100000xf32, #tpu.memory_space<hbm>> -> memref<1x1568xf32, #tpu.memory_space<hbm>>
    tpu.enqueue_dma source(%dma_start3A_54 : memref<1x1568xf32, #tpu.memory_space<hbm>>) target(%dma_start3A_52 : memref<1x1568xf32, #tpu.memory_space<vmem>>) target_semaphore(%arg14 : memref<!tpu.dma_semaphore, #tpu.memory_space<semaphore_mem>>)
    %dma_start3A_55 = arith.constant 17 : i32
    %dma_start3A_56 = arith.constant 0 : i32
    %dma_start3A_57 = tpu.memref_slice %arg11[%dma_start3A_55, %dma_start3A_56] : memref<28x1568xf32, #tpu.memory_space<vmem>> -> memref<1x1568xf32, #tpu.memory_space<vmem>>
    %dma_start3A_58 = arith.constant 0 : i32
    %dma_start3A_59 = tpu.memref_slice %arg4[%dma_start3A_58, %multiple_of3A_38] : memref<1x100000xf32, #tpu.memory_space<hbm>> -> memref<1x1568xf32, #tpu.memory_space<hbm>>
    %dma_start3A_60 = arith.constant 17 : i32
    %dma_start3A_61 = arith.constant 0 : i32
    %dma_start3A_62 = tpu.memref_slice %arg11[%dma_start3A_60, %dma_start3A_61] : memref<28x1568xf32, #tpu.memory_space<vmem>> -> memref<1x1568xf32, #tpu.memory_space<vmem>>
    %dma_start3A_63 = arith.constant 0 : i32
    %dma_start3A_64 = tpu.memref_slice %arg4[%dma_start3A_63, %multiple_of3A_38] : memref<1x100000xf32, #tpu.memory_space<hbm>> -> memref<1x1568xf32, #tpu.memory_space<hbm>>
    tpu.enqueue_dma source(%dma_start3A_64 : memref<1x1568xf32, #tpu.memory_space<hbm>>) target(%dma_start3A_62 : memref<1x1568xf32, #tpu.memory_space<vmem>>) target_semaphore(%arg14 : memref<!tpu.dma_semaphore, #tpu.memory_space<semaphore_mem>>)
    %dma_start3A_65 = arith.constant 18 : i32
    %dma_start3A_66 = arith.constant 0 : i32
    %dma_start3A_67 = tpu.memref_slice %arg11[%dma_start3A_65, %dma_start3A_66] : memref<28x1568xf32, #tpu.memory_space<vmem>> -> memref<10x1568xf32, #tpu.memory_space<vmem>>
    %dma_start3A_68 = arith.constant 0 : i32
    %dma_start3A_69 = tpu.memref_slice %arg5[%dma_start3A_68, %multiple_of3A_38] : memref<10x100000xf32, #tpu.memory_space<hbm>> -> memref<10x1568xf32, #tpu.memory_space<hbm>>
    %dma_start3A_70 = arith.constant 18 : i32
    %dma_start3A_71 = arith.constant 0 : i32
    %dma_start3A_72 = tpu.memref_slice %arg11[%dma_start3A_70, %dma_start3A_71] : memref<28x1568xf32, #tpu.memory_space<vmem>> -> memref<10x1568xf32, #tpu.memory_space<vmem>>
    %dma_start3A_73 = arith.constant 0 : i32
    %dma_start3A_74 = tpu.memref_slice %arg5[%dma_start3A_73, %multiple_of3A_38] : memref<10x100000xf32, #tpu.memory_space<hbm>> -> memref<10x1568xf32, #tpu.memory_space<hbm>>
    tpu.enqueue_dma source(%dma_start3A_74 : memref<10x1568xf32, #tpu.memory_space<hbm>>) target(%dma_start3A_72 : memref<10x1568xf32, #tpu.memory_space<vmem>>) target_semaphore(%arg14 : memref<!tpu.dma_semaphore, #tpu.memory_space<semaphore_mem>>)
    %dma_start3A_75 = arith.constant 16 : i32
    %dma_start3A_76 = arith.constant 0 : i32
    %dma_start3A_77 = tpu.memref_slice %arg12[%dma_start3A_75, %dma_start3A_76] : memref<28x1568xf32, #tpu.memory_space<vmem>> -> memref<1x1568xf32, #tpu.memory_space<vmem>>
    %dma_start3A_78 = arith.constant 0 : i32
    %dma_start3A_79 = tpu.memref_slice %arg3[%dma_start3A_78, %multiple_of3A_41] : memref<1x100000xf32, #tpu.memory_space<hbm>> -> memref<1x1568xf32, #tpu.memory_space<hbm>>
    %dma_start3A_80 = arith.constant 16 : i32
    %dma_start3A_81 = arith.constant 0 : i32
    %dma_start3A_82 = tpu.memref_slice %arg12[%dma_start3A_80, %dma_start3A_81] : memref<28x1568xf32, #tpu.memory_space<vmem>> -> memref<1x1568xf32, #tpu.memory_space<vmem>>
    %dma_start3A_83 = arith.constant 0 : i32
    %dma_start3A_84 = tpu.memref_slice %arg3[%dma_start3A_83, %multiple_of3A_41] : memref<1x100000xf32, #tpu.memory_space<hbm>> -> memref<1x1568xf32, #tpu.memory_space<hbm>>
    tpu.enqueue_dma source(%dma_start3A_84 : memref<1x1568xf32, #tpu.memory_space<hbm>>) target(%dma_start3A_82 : memref<1x1568xf32, #tpu.memory_space<vmem>>) target_semaphore(%arg14 : memref<!tpu.dma_semaphore, #tpu.memory_space<semaphore_mem>>)
    %dma_start3A_85 = arith.constant 17 : i32
    %dma_start3A_86 = arith.constant 0 : i32
    %dma_start3A_87 = tpu.memref_slice %arg12[%dma_start3A_85, %dma_start3A_86] : memref<28x1568xf32, #tpu.memory_space<vmem>> -> memref<1x1568xf32, #tpu.memory_space<vmem>>
    %dma_start3A_88 = arith.constant 0 : i32
    %dma_start3A_89 = tpu.memref_slice %arg4[%dma_start3A_88, %multiple_of3A_41] : memref<1x100000xf32, #tpu.memory_space<hbm>> -> memref<1x1568xf32, #tpu.memory_space<hbm>>
    %dma_start3A_90 = arith.constant 17 : i32
    %dma_start3A_91 = arith.constant 0 : i32
    %dma_start3A_92 = tpu.memref_slice %arg12[%dma_start3A_90, %dma_start3A_91] : memref<28x1568xf32, #tpu.memory_space<vmem>> -> memref<1x1568xf32, #tpu.memory_space<vmem>>
    %dma_start3A_93 = arith.constant 0 : i32
    %dma_start3A_94 = tpu.memref_slice %arg4[%dma_start3A_93, %multiple_of3A_41] : memref<1x100000xf32, #tpu.memory_space<hbm>> -> memref<1x1568xf32, #tpu.memory_space<hbm>>
    tpu.enqueue_dma source(%dma_start3A_94 : memref<1x1568xf32, #tpu.memory_space<hbm>>) target(%dma_start3A_92 : memref<1x1568xf32, #tpu.memory_space<vmem>>) target_semaphore(%arg14 : memref<!tpu.dma_semaphore, #tpu.memory_space<semaphore_mem>>)
    %dma_start3A_95 = arith.constant 18 : i32
    %dma_start3A_96 = arith.constant 0 : i32
    %dma_start3A_97 = tpu.memref_slice %arg12[%dma_start3A_95, %dma_start3A_96] : memref<28x1568xf32, #tpu.memory_space<vmem>> -> memref<10x1568xf32, #tpu.memory_space<vmem>>
    %dma_start3A_98 = arith.constant 0 : i32
    %dma_start3A_99 = tpu.memref_slice %arg5[%dma_start3A_98, %multiple_of3A_41] : memref<10x100000xf32, #tpu.memory_space<hbm>> -> memref<10x1568xf32, #tpu.memory_space<hbm>>
    %dma_start3A_100 = arith.constant 18 : i32
    %dma_start3A_101 = arith.constant 0 : i32
    %dma_start3A_102 = tpu.memref_slice %arg12[%dma_start3A_100, %dma_start3A_101] : memref<28x1568xf32, #tpu.memory_space<vmem>> -> memref<10x1568xf32, #tpu.memory_space<vmem>>
    %dma_start3A_103 = arith.constant 0 : i32
    %dma_start3A_104 = tpu.memref_slice %arg5[%dma_start3A_103, %multiple_of3A_41] : memref<10x100000xf32, #tpu.memory_space<hbm>> -> memref<10x1568xf32, #tpu.memory_space<hbm>>
    tpu.enqueue_dma source(%dma_start3A_104 : memref<10x1568xf32, #tpu.memory_space<hbm>>) target(%dma_start3A_102 : memref<10x1568xf32, #tpu.memory_space<vmem>>) target_semaphore(%arg14 : memref<!tpu.dma_semaphore, #tpu.memory_space<semaphore_mem>>)
    tpu.wait_dma2 semaphore(%arg14 : memref<!tpu.dma_semaphore, #tpu.memory_space<semaphore_mem>>) src(%arg6 : memref<10x16xf32, #tpu.memory_space<hbm>>) dst(%arg10 : memref<10x16xf32, #tpu.memory_space<vmem>>)
    %dma_wait3A = tpu.memref_slice %arg2[%multiple_of3A_38] : memref<100000xi32, #tpu.memory_space<hbm>> -> memref<1568xi32, #tpu.memory_space<hbm>>
    %dma_wait3A_105 = tpu.memref_slice %arg2[%multiple_of3A_38] : memref<100000xi32, #tpu.memory_space<hbm>> -> memref<1568xi32, #tpu.memory_space<hbm>>
    tpu.wait_dma2 semaphore(%arg13 : memref<!tpu.dma_semaphore, #tpu.memory_space<semaphore_mem>>) src(%dma_wait3A_105 : memref<1568xi32, #tpu.memory_space<hbm>>) dst(%arg8 : memref<1568xi32, #tpu.memory_space<vmem>>)
    %parallel_loop3A = arith.constant 0 : i32
    %parallel_loop3A_106 = arith.constant 1568 : i32
    %parallel_loop3A_107 = arith.constant 16 : i32
    scf.for %parallel_loop3A_189 = %parallel_loop3A to %parallel_loop3A_106 step %parallel_loop3A_107  : i32 {
      %parallel_loop3A_190 = vector.broadcast %parallel_loop3A_189 : i32 to vector<16xi32>
      %parallel_loop3A_191 = arith.addi %iota3A, %parallel_loop3A_190 : vector<16xi32>
      %parallel_loop3A_192 = tpu.vector_load_idx %arg8[%parallel_loop3A_191] : memref<1568xi32, #tpu.memory_space<vmem>>[vector<16xi32>], vector<16xi32>,
      %parallel_loop3A_193 = tpu.vector_load_idx %arg10[%parallel_loop3A_192, %broadcast_in_dim3A_5] : memref<10x16xf32, #tpu.memory_space<vmem>>[vector<16xi32>, vector<16xi32>], vector<16xf32>,
      tpu.vector_store_idx %arg11[%broadcast_in_dim3A_5, %parallel_loop3A_191], %parallel_loop3A_193 : memref<28x1568xf32, #tpu.memory_space<vmem>>[vector<16xi32>, vector<16xi32>], vector<16xf32>,
      %parallel_loop3A_194 = tpu.vector_load_idx %arg10[%parallel_loop3A_192, %broadcast_in_dim3A_7] : memref<10x16xf32, #tpu.memory_space<vmem>>[vector<16xi32>, vector<16xi32>], vector<16xf32>,
      tpu.vector_store_idx %arg11[%broadcast_in_dim3A_7, %parallel_loop3A_191], %parallel_loop3A_194 : memref<28x1568xf32, #tpu.memory_space<vmem>>[vector<16xi32>, vector<16xi32>], vector<16xf32>,
      %parallel_loop3A_195 = tpu.vector_load_idx %arg10[%parallel_loop3A_192, %broadcast_in_dim3A_9] : memref<10x16xf32, #tpu.memory_space<vmem>>[vector<16xi32>, vector<16xi32>], vector<16xf32>,
      tpu.vector_store_idx %arg11[%broadcast_in_dim3A_9, %parallel_loop3A_191], %parallel_loop3A_195 : memref<28x1568xf32, #tpu.memory_space<vmem>>[vector<16xi32>, vector<16xi32>], vector<16xf32>,
      %parallel_loop3A_196 = tpu.vector_load_idx %arg10[%parallel_loop3A_192, %broadcast_in_dim3A_11] : memref<10x16xf32, #tpu.memory_space<vmem>>[vector<16xi32>, vector<16xi32>], vector<16xf32>,
      tpu.vector_store_idx %arg11[%broadcast_in_dim3A_11, %parallel_loop3A_191], %parallel_loop3A_196 : memref<28x1568xf32, #tpu.memory_space<vmem>>[vector<16xi32>, vector<16xi32>], vector<16xf32>,
      %parallel_loop3A_197 = tpu.vector_load_idx %arg10[%parallel_loop3A_192, %broadcast_in_dim3A_13] : memref<10x16xf32, #tpu.memory_space<vmem>>[vector<16xi32>, vector<16xi32>], vector<16xf32>,
      tpu.vector_store_idx %arg11[%broadcast_in_dim3A_13, %parallel_loop3A_191], %parallel_loop3A_197 : memref<28x1568xf32, #tpu.memory_space<vmem>>[vector<16xi32>, vector<16xi32>], vector<16xf32>,
      %parallel_loop3A_198 = tpu.vector_load_idx %arg10[%parallel_loop3A_192, %broadcast_in_dim3A_15] : memref<10x16xf32, #tpu.memory_space<vmem>>[vector<16xi32>, vector<16xi32>], vector<16xf32>,
      tpu.vector_store_idx %arg11[%broadcast_in_dim3A_15, %parallel_loop3A_191], %parallel_loop3A_198 : memref<28x1568xf32, #tpu.memory_space<vmem>>[vector<16xi32>, vector<16xi32>], vector<16xf32>,
      %parallel_loop3A_199 = tpu.vector_load_idx %arg10[%parallel_loop3A_192, %broadcast_in_dim3A_17] : memref<10x16xf32, #tpu.memory_space<vmem>>[vector<16xi32>, vector<16xi32>], vector<16xf32>,
      tpu.vector_store_idx %arg11[%broadcast_in_dim3A_17, %parallel_loop3A_191], %parallel_loop3A_199 : memref<28x1568xf32, #tpu.memory_space<vmem>>[vector<16xi32>, vector<16xi32>], vector<16xf32>,
      %parallel_loop3A_200 = tpu.vector_load_idx %arg10[%parallel_loop3A_192, %broadcast_in_dim3A_19] : memref<10x16xf32, #tpu.memory_space<vmem>>[vector<16xi32>, vector<16xi32>], vector<16xf32>,
      tpu.vector_store_idx %arg11[%broadcast_in_dim3A_19, %parallel_loop3A_191], %parallel_loop3A_200 : memref<28x1568xf32, #tpu.memory_space<vmem>>[vector<16xi32>, vector<16xi32>], vector<16xf32>,
      %parallel_loop3A_201 = tpu.vector_load_idx %arg10[%parallel_loop3A_192, %broadcast_in_dim3A_21] : memref<10x16xf32, #tpu.memory_space<vmem>>[vector<16xi32>, vector<16xi32>], vector<16xf32>,
      tpu.vector_store_idx %arg11[%broadcast_in_dim3A_21, %parallel_loop3A_191], %parallel_loop3A_201 : memref<28x1568xf32, #tpu.memory_space<vmem>>[vector<16xi32>, vector<16xi32>], vector<16xf32>,
      %parallel_loop3A_202 = tpu.vector_load_idx %arg10[%parallel_loop3A_192, %broadcast_in_dim3A_23] : memref<10x16xf32, #tpu.memory_space<vmem>>[vector<16xi32>, vector<16xi32>], vector<16xf32>,
      tpu.vector_store_idx %arg11[%broadcast_in_dim3A_23, %parallel_loop3A_191], %parallel_loop3A_202 : memref<28x1568xf32, #tpu.memory_space<vmem>>[vector<16xi32>, vector<16xi32>], vector<16xf32>,
      %parallel_loop3A_203 = tpu.vector_load_idx %arg10[%parallel_loop3A_192, %broadcast_in_dim3A_25] : memref<10x16xf32, #tpu.memory_space<vmem>>[vector<16xi32>, vector<16xi32>], vector<16xf32>,
      tpu.vector_store_idx %arg11[%broadcast_in_dim3A_25, %parallel_loop3A_191], %parallel_loop3A_203 : memref<28x1568xf32, #tpu.memory_space<vmem>>[vector<16xi32>, vector<16xi32>], vector<16xf32>,
      %parallel_loop3A_204 = tpu.vector_load_idx %arg10[%parallel_loop3A_192, %broadcast_in_dim3A_27] : memref<10x16xf32, #tpu.memory_space<vmem>>[vector<16xi32>, vector<16xi32>], vector<16xf32>,
      tpu.vector_store_idx %arg11[%broadcast_in_dim3A_27, %parallel_loop3A_191], %parallel_loop3A_204 : memref<28x1568xf32, #tpu.memory_space<vmem>>[vector<16xi32>, vector<16xi32>], vector<16xf32>,
      %parallel_loop3A_205 = tpu.vector_load_idx %arg10[%parallel_loop3A_192, %broadcast_in_dim3A_29] : memref<10x16xf32, #tpu.memory_space<vmem>>[vector<16xi32>, vector<16xi32>], vector<16xf32>,
      tpu.vector_store_idx %arg11[%broadcast_in_dim3A_29, %parallel_loop3A_191], %parallel_loop3A_205 : memref<28x1568xf32, #tpu.memory_space<vmem>>[vector<16xi32>, vector<16xi32>], vector<16xf32>,
      %parallel_loop3A_206 = tpu.vector_load_idx %arg10[%parallel_loop3A_192, %broadcast_in_dim3A_31] : memref<10x16xf32, #tpu.memory_space<vmem>>[vector<16xi32>, vector<16xi32>], vector<16xf32>,
      tpu.vector_store_idx %arg11[%broadcast_in_dim3A_31, %parallel_loop3A_191], %parallel_loop3A_206 : memref<28x1568xf32, #tpu.memory_space<vmem>>[vector<16xi32>, vector<16xi32>], vector<16xf32>,
      %parallel_loop3A_207 = tpu.vector_load_idx %arg10[%parallel_loop3A_192, %broadcast_in_dim3A_33] : memref<10x16xf32, #tpu.memory_space<vmem>>[vector<16xi32>, vector<16xi32>], vector<16xf32>,
      tpu.vector_store_idx %arg11[%broadcast_in_dim3A_33, %parallel_loop3A_191], %parallel_loop3A_207 : memref<28x1568xf32, #tpu.memory_space<vmem>>[vector<16xi32>, vector<16xi32>], vector<16xf32>,
      %parallel_loop3A_208 = tpu.vector_load_idx %arg10[%parallel_loop3A_192, %broadcast_in_dim3A_35] : memref<10x16xf32, #tpu.memory_space<vmem>>[vector<16xi32>, vector<16xi32>], vector<16xf32>,
      tpu.vector_store_idx %arg11[%broadcast_in_dim3A_35, %parallel_loop3A_191], %parallel_loop3A_208 : memref<28x1568xf32, #tpu.memory_space<vmem>>[vector<16xi32>, vector<16xi32>], vector<16xf32>,
    } {sc.loop_unroll_factor = 1 : i64, sc.parallel_access}
    %dma_wait3A_108 = arith.constant 16 : i32
    %dma_wait3A_109 = arith.constant 0 : i32
    %dma_wait3A_110 = tpu.memref_slice %arg11[%dma_wait3A_108, %dma_wait3A_109] : memref<28x1568xf32, #tpu.memory_space<vmem>> -> memref<1x1568xf32, #tpu.memory_space<vmem>>
    %dma_wait3A_111 = arith.constant 0 : i32
    %dma_wait3A_112 = tpu.memref_slice %arg3[%dma_wait3A_111, %multiple_of3A_38] : memref<1x100000xf32, #tpu.memory_space<hbm>> -> memref<1x1568xf32, #tpu.memory_space<hbm>>
    %dma_wait3A_113 = arith.constant 16 : i32
    %dma_wait3A_114 = arith.constant 0 : i32
    %dma_wait3A_115 = tpu.memref_slice %arg11[%dma_wait3A_113, %dma_wait3A_114] : memref<28x1568xf32, #tpu.memory_space<vmem>> -> memref<1x1568xf32, #tpu.memory_space<vmem>>
    %dma_wait3A_116 = arith.constant 0 : i32
    %dma_wait3A_117 = tpu.memref_slice %arg3[%dma_wait3A_116, %multiple_of3A_38] : memref<1x100000xf32, #tpu.memory_space<hbm>> -> memref<1x1568xf32, #tpu.memory_space<hbm>>
    tpu.wait_dma2 semaphore(%arg14 : memref<!tpu.dma_semaphore, #tpu.memory_space<semaphore_mem>>) src(%dma_wait3A_117 : memref<1x1568xf32, #tpu.memory_space<hbm>>) dst(%dma_wait3A_115 : memref<1x1568xf32, #tpu.memory_space<vmem>>)
    %dma_wait3A_118 = arith.constant 17 : i32
    %dma_wait3A_119 = arith.constant 0 : i32
    %dma_wait3A_120 = tpu.memref_slice %arg11[%dma_wait3A_118, %dma_wait3A_119] : memref<28x1568xf32, #tpu.memory_space<vmem>> -> memref<1x1568xf32, #tpu.memory_space<vmem>>
    %dma_wait3A_121 = arith.constant 0 : i32
    %dma_wait3A_122 = tpu.memref_slice %arg4[%dma_wait3A_121, %multiple_of3A_38] : memref<1x100000xf32, #tpu.memory_space<hbm>> -> memref<1x1568xf32, #tpu.memory_space<hbm>>
    %dma_wait3A_123 = arith.constant 17 : i32
    %dma_wait3A_124 = arith.constant 0 : i32
    %dma_wait3A_125 = tpu.memref_slice %arg11[%dma_wait3A_123, %dma_wait3A_124] : memref<28x1568xf32, #tpu.memory_space<vmem>> -> memref<1x1568xf32, #tpu.memory_space<vmem>>
    %dma_wait3A_126 = arith.constant 0 : i32
    %dma_wait3A_127 = tpu.memref_slice %arg4[%dma_wait3A_126, %multiple_of3A_38] : memref<1x100000xf32, #tpu.memory_space<hbm>> -> memref<1x1568xf32, #tpu.memory_space<hbm>>
    tpu.wait_dma2 semaphore(%arg14 : memref<!tpu.dma_semaphore, #tpu.memory_space<semaphore_mem>>) src(%dma_wait3A_127 : memref<1x1568xf32, #tpu.memory_space<hbm>>) dst(%dma_wait3A_125 : memref<1x1568xf32, #tpu.memory_space<vmem>>)
    %dma_wait3A_128 = arith.constant 18 : i32
    %dma_wait3A_129 = arith.constant 0 : i32
    %dma_wait3A_130 = tpu.memref_slice %arg11[%dma_wait3A_128, %dma_wait3A_129] : memref<28x1568xf32, #tpu.memory_space<vmem>> -> memref<10x1568xf32, #tpu.memory_space<vmem>>
    %dma_wait3A_131 = arith.constant 0 : i32
    %dma_wait3A_132 = tpu.memref_slice %arg5[%dma_wait3A_131, %multiple_of3A_38] : memref<10x100000xf32, #tpu.memory_space<hbm>> -> memref<10x1568xf32, #tpu.memory_space<hbm>>
    %dma_wait3A_133 = arith.constant 18 : i32
    %dma_wait3A_134 = arith.constant 0 : i32
    %dma_wait3A_135 = tpu.memref_slice %arg11[%dma_wait3A_133, %dma_wait3A_134] : memref<28x1568xf32, #tpu.memory_space<vmem>> -> memref<10x1568xf32, #tpu.memory_space<vmem>>
    %dma_wait3A_136 = arith.constant 0 : i32
    %dma_wait3A_137 = tpu.memref_slice %arg5[%dma_wait3A_136, %multiple_of3A_38] : memref<10x100000xf32, #tpu.memory_space<hbm>> -> memref<10x1568xf32, #tpu.memory_space<hbm>>
    tpu.wait_dma2 semaphore(%arg14 : memref<!tpu.dma_semaphore, #tpu.memory_space<semaphore_mem>>) src(%dma_wait3A_137 : memref<10x1568xf32, #tpu.memory_space<hbm>>) dst(%dma_wait3A_135 : memref<10x1568xf32, #tpu.memory_space<vmem>>)
    %dma_start3A_138 = arith.constant 0 : i32
    %dma_start3A_139 = tpu.memref_slice %arg7[%dma_start3A_138, %multiple_of3A_38] : memref<28x100000xf32, #tpu.memory_space<hbm>> -> memref<28x1568xf32, #tpu.memory_space<hbm>>
    %dma_start3A_140 = arith.constant 0 : i32
    %dma_start3A_141 = tpu.memref_slice %arg7[%dma_start3A_140, %multiple_of3A_38] : memref<28x100000xf32, #tpu.memory_space<hbm>> -> memref<28x1568xf32, #tpu.memory_space<hbm>>
    tpu.enqueue_dma source(%arg11 : memref<28x1568xf32, #tpu.memory_space<vmem>>) target(%dma_start3A_141 : memref<28x1568xf32, #tpu.memory_space<hbm>>) target_semaphore(%arg15 : memref<!tpu.dma_semaphore, #tpu.memory_space<semaphore_mem>>)
    %dma_wait3A_142 = tpu.memref_slice %arg2[%multiple_of3A_41] : memref<100000xi32, #tpu.memory_space<hbm>> -> memref<1568xi32, #tpu.memory_space<hbm>>
    %dma_wait3A_143 = tpu.memref_slice %arg2[%multiple_of3A_41] : memref<100000xi32, #tpu.memory_space<hbm>> -> memref<1568xi32, #tpu.memory_space<hbm>>
    tpu.wait_dma2 semaphore(%arg13 : memref<!tpu.dma_semaphore, #tpu.memory_space<semaphore_mem>>) src(%dma_wait3A_143 : memref<1568xi32, #tpu.memory_space<hbm>>) dst(%arg9 : memref<1568xi32, #tpu.memory_space<vmem>>)
    %parallel_loop3A_144 = arith.constant 0 : i32
    %parallel_loop3A_145 = arith.constant 1568 : i32
    %parallel_loop3A_146 = arith.constant 16 : i32
    scf.for %parallel_loop3A_189 = %parallel_loop3A_144 to %parallel_loop3A_145 step %parallel_loop3A_146  : i32 {
      %parallel_loop3A_190 = vector.broadcast %parallel_loop3A_189 : i32 to vector<16xi32>
      %parallel_loop3A_191 = arith.addi %iota3A, %parallel_loop3A_190 : vector<16xi32>
      %parallel_loop3A_192 = tpu.vector_load_idx %arg9[%parallel_loop3A_191] : memref<1568xi32, #tpu.memory_space<vmem>>[vector<16xi32>], vector<16xi32>,
      %parallel_loop3A_193 = tpu.vector_load_idx %arg10[%parallel_loop3A_192, %broadcast_in_dim3A_5] : memref<10x16xf32, #tpu.memory_space<vmem>>[vector<16xi32>, vector<16xi32>], vector<16xf32>,
      tpu.vector_store_idx %arg12[%broadcast_in_dim3A_5, %parallel_loop3A_191], %parallel_loop3A_193 : memref<28x1568xf32, #tpu.memory_space<vmem>>[vector<16xi32>, vector<16xi32>], vector<16xf32>,
      %parallel_loop3A_194 = tpu.vector_load_idx %arg10[%parallel_loop3A_192, %broadcast_in_dim3A_7] : memref<10x16xf32, #tpu.memory_space<vmem>>[vector<16xi32>, vector<16xi32>], vector<16xf32>,
      tpu.vector_store_idx %arg12[%broadcast_in_dim3A_7, %parallel_loop3A_191], %parallel_loop3A_194 : memref<28x1568xf32, #tpu.memory_space<vmem>>[vector<16xi32>, vector<16xi32>], vector<16xf32>,
      %parallel_loop3A_195 = tpu.vector_load_idx %arg10[%parallel_loop3A_192, %broadcast_in_dim3A_9] : memref<10x16xf32, #tpu.memory_space<vmem>>[vector<16xi32>, vector<16xi32>], vector<16xf32>,
      tpu.vector_store_idx %arg12[%broadcast_in_dim3A_9, %parallel_loop3A_191], %parallel_loop3A_195 : memref<28x1568xf32, #tpu.memory_space<vmem>>[vector<16xi32>, vector<16xi32>], vector<16xf32>,
      %parallel_loop3A_196 = tpu.vector_load_idx %arg10[%parallel_loop3A_192, %broadcast_in_dim3A_11] : memref<10x16xf32, #tpu.memory_space<vmem>>[vector<16xi32>, vector<16xi32>], vector<16xf32>,
      tpu.vector_store_idx %arg12[%broadcast_in_dim3A_11, %parallel_loop3A_191], %parallel_loop3A_196 : memref<28x1568xf32, #tpu.memory_space<vmem>>[vector<16xi32>, vector<16xi32>], vector<16xf32>,
      %parallel_loop3A_197 = tpu.vector_load_idx %arg10[%parallel_loop3A_192, %broadcast_in_dim3A_13] : memref<10x16xf32, #tpu.memory_space<vmem>>[vector<16xi32>, vector<16xi32>], vector<16xf32>,
      tpu.vector_store_idx %arg12[%broadcast_in_dim3A_13, %parallel_loop3A_191], %parallel_loop3A_197 : memref<28x1568xf32, #tpu.memory_space<vmem>>[vector<16xi32>, vector<16xi32>], vector<16xf32>,
      %parallel_loop3A_198 = tpu.vector_load_idx %arg10[%parallel_loop3A_192, %broadcast_in_dim3A_15] : memref<10x16xf32, #tpu.memory_space<vmem>>[vector<16xi32>, vector<16xi32>], vector<16xf32>,
      tpu.vector_store_idx %arg12[%broadcast_in_dim3A_15, %parallel_loop3A_191], %parallel_loop3A_198 : memref<28x1568xf32, #tpu.memory_space<vmem>>[vector<16xi32>, vector<16xi32>], vector<16xf32>,
      %parallel_loop3A_199 = tpu.vector_load_idx %arg10[%parallel_loop3A_192, %broadcast_in_dim3A_17] : memref<10x16xf32, #tpu.memory_space<vmem>>[vector<16xi32>, vector<16xi32>], vector<16xf32>,
      tpu.vector_store_idx %arg12[%broadcast_in_dim3A_17, %parallel_loop3A_191], %parallel_loop3A_199 : memref<28x1568xf32, #tpu.memory_space<vmem>>[vector<16xi32>, vector<16xi32>], vector<16xf32>,
      %parallel_loop3A_200 = tpu.vector_load_idx %arg10[%parallel_loop3A_192, %broadcast_in_dim3A_19] : memref<10x16xf32, #tpu.memory_space<vmem>>[vector<16xi32>, vector<16xi32>], vector<16xf32>,
      tpu.vector_store_idx %arg12[%broadcast_in_dim3A_19, %parallel_loop3A_191], %parallel_loop3A_200 : memref<28x1568xf32, #tpu.memory_space<vmem>>[vector<16xi32>, vector<16xi32>], vector<16xf32>,
      %parallel_loop3A_201 = tpu.vector_load_idx %arg10[%parallel_loop3A_192, %broadcast_in_dim3A_21] : memref<10x16xf32, #tpu.memory_space<vmem>>[vector<16xi32>, vector<16xi32>], vector<16xf32>,
      tpu.vector_store_idx %arg12[%broadcast_in_dim3A_21, %parallel_loop3A_191], %parallel_loop3A_201 : memref<28x1568xf32, #tpu.memory_space<vmem>>[vector<16xi32>, vector<16xi32>], vector<16xf32>,
      %parallel_loop3A_202 = tpu.vector_load_idx %arg10[%parallel_loop3A_192, %broadcast_in_dim3A_23] : memref<10x16xf32, #tpu.memory_space<vmem>>[vector<16xi32>, vector<16xi32>], vector<16xf32>,
      tpu.vector_store_idx %arg12[%broadcast_in_dim3A_23, %parallel_loop3A_191], %parallel_loop3A_202 : memref<28x1568xf32, #tpu.memory_space<vmem>>[vector<16xi32>, vector<16xi32>], vector<16xf32>,
      %parallel_loop3A_203 = tpu.vector_load_idx %arg10[%parallel_loop3A_192, %broadcast_in_dim3A_25] : memref<10x16xf32, #tpu.memory_space<vmem>>[vector<16xi32>, vector<16xi32>], vector<16xf32>,
      tpu.vector_store_idx %arg12[%broadcast_in_dim3A_25, %parallel_loop3A_191], %parallel_loop3A_203 : memref<28x1568xf32, #tpu.memory_space<vmem>>[vector<16xi32>, vector<16xi32>], vector<16xf32>,
      %parallel_loop3A_204 = tpu.vector_load_idx %arg10[%parallel_loop3A_192, %broadcast_in_dim3A_27] : memref<10x16xf32, #tpu.memory_space<vmem>>[vector<16xi32>, vector<16xi32>], vector<16xf32>,
      tpu.vector_store_idx %arg12[%broadcast_in_dim3A_27, %parallel_loop3A_191], %parallel_loop3A_204 : memref<28x1568xf32, #tpu.memory_space<vmem>>[vector<16xi32>, vector<16xi32>], vector<16xf32>,
      %parallel_loop3A_205 = tpu.vector_load_idx %arg10[%parallel_loop3A_192, %broadcast_in_dim3A_29] : memref<10x16xf32, #tpu.memory_space<vmem>>[vector<16xi32>, vector<16xi32>], vector<16xf32>,
      tpu.vector_store_idx %arg12[%broadcast_in_dim3A_29, %parallel_loop3A_191], %parallel_loop3A_205 : memref<28x1568xf32, #tpu.memory_space<vmem>>[vector<16xi32>, vector<16xi32>], vector<16xf32>,
      %parallel_loop3A_206 = tpu.vector_load_idx %arg10[%parallel_loop3A_192, %broadcast_in_dim3A_31] : memref<10x16xf32, #tpu.memory_space<vmem>>[vector<16xi32>, vector<16xi32>], vector<16xf32>,
      tpu.vector_store_idx %arg12[%broadcast_in_dim3A_31, %parallel_loop3A_191], %parallel_loop3A_206 : memref<28x1568xf32, #tpu.memory_space<vmem>>[vector<16xi32>, vector<16xi32>], vector<16xf32>,
      %parallel_loop3A_207 = tpu.vector_load_idx %arg10[%parallel_loop3A_192, %broadcast_in_dim3A_33] : memref<10x16xf32, #tpu.memory_space<vmem>>[vector<16xi32>, vector<16xi32>], vector<16xf32>,
      tpu.vector_store_idx %arg12[%broadcast_in_dim3A_33, %parallel_loop3A_191], %parallel_loop3A_207 : memref<28x1568xf32, #tpu.memory_space<vmem>>[vector<16xi32>, vector<16xi32>], vector<16xf32>,
      %parallel_loop3A_208 = tpu.vector_load_idx %arg10[%parallel_loop3A_192, %broadcast_in_dim3A_35] : memref<10x16xf32, #tpu.memory_space<vmem>>[vector<16xi32>, vector<16xi32>], vector<16xf32>,
      tpu.vector_store_idx %arg12[%broadcast_in_dim3A_35, %parallel_loop3A_191], %parallel_loop3A_208 : memref<28x1568xf32, #tpu.memory_space<vmem>>[vector<16xi32>, vector<16xi32>], vector<16xf32>,
    } {sc.loop_unroll_factor = 1 : i64, sc.parallel_access}
    %dma_wait3A_147 = arith.constant 16 : i32
    %dma_wait3A_148 = arith.constant 0 : i32
    %dma_wait3A_149 = tpu.memref_slice %arg12[%dma_wait3A_147, %dma_wait3A_148] : memref<28x1568xf32, #tpu.memory_space<vmem>> -> memref<1x1568xf32, #tpu.memory_space<vmem>>
    %dma_wait3A_150 = arith.constant 0 : i32
    %dma_wait3A_151 = tpu.memref_slice %arg3[%dma_wait3A_150, %multiple_of3A_41] : memref<1x100000xf32, #tpu.memory_space<hbm>> -> memref<1x1568xf32, #tpu.memory_space<hbm>>
    %dma_wait3A_152 = arith.constant 16 : i32
    %dma_wait3A_153 = arith.constant 0 : i32
    %dma_wait3A_154 = tpu.memref_slice %arg12[%dma_wait3A_152, %dma_wait3A_153] : memref<28x1568xf32, #tpu.memory_space<vmem>> -> memref<1x1568xf32, #tpu.memory_space<vmem>>
    %dma_wait3A_155 = arith.constant 0 : i32
    %dma_wait3A_156 = tpu.memref_slice %arg3[%dma_wait3A_155, %multiple_of3A_41] : memref<1x100000xf32, #tpu.memory_space<hbm>> -> memref<1x1568xf32, #tpu.memory_space<hbm>>
    tpu.wait_dma2 semaphore(%arg14 : memref<!tpu.dma_semaphore, #tpu.memory_space<semaphore_mem>>) src(%dma_wait3A_156 : memref<1x1568xf32, #tpu.memory_space<hbm>>) dst(%dma_wait3A_154 : memref<1x1568xf32, #tpu.memory_space<vmem>>)
    %dma_wait3A_157 = arith.constant 17 : i32
    %dma_wait3A_158 = arith.constant 0 : i32
    %dma_wait3A_159 = tpu.memref_slice %arg12[%dma_wait3A_157, %dma_wait3A_158] : memref<28x1568xf32, #tpu.memory_space<vmem>> -> memref<1x1568xf32, #tpu.memory_space<vmem>>
    %dma_wait3A_160 = arith.constant 0 : i32
    %dma_wait3A_161 = tpu.memref_slice %arg4[%dma_wait3A_160, %multiple_of3A_41] : memref<1x100000xf32, #tpu.memory_space<hbm>> -> memref<1x1568xf32, #tpu.memory_space<hbm>>
    %dma_wait3A_162 = arith.constant 17 : i32
    %dma_wait3A_163 = arith.constant 0 : i32
    %dma_wait3A_164 = tpu.memref_slice %arg12[%dma_wait3A_162, %dma_wait3A_163] : memref<28x1568xf32, #tpu.memory_space<vmem>> -> memref<1x1568xf32, #tpu.memory_space<vmem>>
    %dma_wait3A_165 = arith.constant 0 : i32
    %dma_wait3A_166 = tpu.memref_slice %arg4[%dma_wait3A_165, %multiple_of3A_41] : memref<1x100000xf32, #tpu.memory_space<hbm>> -> memref<1x1568xf32, #tpu.memory_space<hbm>>
    tpu.wait_dma2 semaphore(%arg14 : memref<!tpu.dma_semaphore, #tpu.memory_space<semaphore_mem>>) src(%dma_wait3A_166 : memref<1x1568xf32, #tpu.memory_space<hbm>>) dst(%dma_wait3A_164 : memref<1x1568xf32, #tpu.memory_space<vmem>>)
    %dma_wait3A_167 = arith.constant 18 : i32
    %dma_wait3A_168 = arith.constant 0 : i32
    %dma_wait3A_169 = tpu.memref_slice %arg12[%dma_wait3A_167, %dma_wait3A_168] : memref<28x1568xf32, #tpu.memory_space<vmem>> -> memref<10x1568xf32, #tpu.memory_space<vmem>>
    %dma_wait3A_170 = arith.constant 0 : i32
    %dma_wait3A_171 = tpu.memref_slice %arg5[%dma_wait3A_170, %multiple_of3A_41] : memref<10x100000xf32, #tpu.memory_space<hbm>> -> memref<10x1568xf32, #tpu.memory_space<hbm>>
    %dma_wait3A_172 = arith.constant 18 : i32
    %dma_wait3A_173 = arith.constant 0 : i32
    %dma_wait3A_174 = tpu.memref_slice %arg12[%dma_wait3A_172, %dma_wait3A_173] : memref<28x1568xf32, #tpu.memory_space<vmem>> -> memref<10x1568xf32, #tpu.memory_space<vmem>>
    %dma_wait3A_175 = arith.constant 0 : i32
    %dma_wait3A_176 = tpu.memref_slice %arg5[%dma_wait3A_175, %multiple_of3A_41] : memref<10x100000xf32, #tpu.memory_space<hbm>> -> memref<10x1568xf32, #tpu.memory_space<hbm>>
    tpu.wait_dma2 semaphore(%arg14 : memref<!tpu.dma_semaphore, #tpu.memory_space<semaphore_mem>>) src(%dma_wait3A_176 : memref<10x1568xf32, #tpu.memory_space<hbm>>) dst(%dma_wait3A_174 : memref<10x1568xf32, #tpu.memory_space<vmem>>)
    %dma_start3A_177 = arith.constant 0 : i32
    %dma_start3A_178 = tpu.memref_slice %arg7[%dma_start3A_177, %multiple_of3A_41] : memref<28x100000xf32, #tpu.memory_space<hbm>> -> memref<28x1568xf32, #tpu.memory_space<hbm>>
    %dma_start3A_179 = arith.constant 0 : i32
    %dma_start3A_180 = tpu.memref_slice %arg7[%dma_start3A_179, %multiple_of3A_41] : memref<28x100000xf32, #tpu.memory_space<hbm>> -> memref<28x1568xf32, #tpu.memory_space<hbm>>
    tpu.enqueue_dma source(%arg12 : memref<28x1568xf32, #tpu.memory_space<vmem>>) target(%dma_start3A_180 : memref<28x1568xf32, #tpu.memory_space<hbm>>) target_semaphore(%arg15 : memref<!tpu.dma_semaphore, #tpu.memory_space<semaphore_mem>>)
    %dma_wait3A_181 = arith.constant 0 : i32
    %dma_wait3A_182 = tpu.memref_slice %arg7[%dma_wait3A_181, %multiple_of3A_38] : memref<28x100000xf32, #tpu.memory_space<hbm>> -> memref<28x1568xf32, #tpu.memory_space<hbm>>
    %dma_wait3A_183 = arith.constant 0 : i32
    %dma_wait3A_184 = tpu.memref_slice %arg7[%dma_wait3A_183, %multiple_of3A_38] : memref<28x100000xf32, #tpu.memory_space<hbm>> -> memref<28x1568xf32, #tpu.memory_space<hbm>>
    tpu.wait_dma2 semaphore(%arg15 : memref<!tpu.dma_semaphore, #tpu.memory_space<semaphore_mem>>) src(%arg11 : memref<28x1568xf32, #tpu.memory_space<vmem>>) dst(%dma_wait3A_184 : memref<28x1568xf32, #tpu.memory_space<hbm>>)
    %dma_wait3A_185 = arith.constant 0 : i32
    %dma_wait3A_186 = tpu.memref_slice %arg7[%dma_wait3A_185, %multiple_of3A_41] : memref<28x100000xf32, #tpu.memory_space<hbm>> -> memref<28x1568xf32, #tpu.memory_space<hbm>>
    %dma_wait3A_187 = arith.constant 0 : i32
    %dma_wait3A_188 = tpu.memref_slice %arg7[%dma_wait3A_187, %multiple_of3A_41] : memref<28x100000xf32, #tpu.memory_space<hbm>> -> memref<28x1568xf32, #tpu.memory_space<hbm>>
    tpu.wait_dma2 semaphore(%arg15 : memref<!tpu.dma_semaphore, #tpu.memory_space<semaphore_mem>>) src(%arg12 : memref<28x1568xf32, #tpu.memory_space<vmem>>) dst(%dma_wait3A_188 : memref<28x1568xf32, #tpu.memory_space<hbm>>)
    return
  }
}

</mosaic_0001>

<sc_bundles>
// kernel: _node_feat.3.cloned.1.call-start
scs
__scs_entry_jumppad:
0x0: {  	(pc) =	sbr.rel $0x88, $3  }
0x1: {  	(tag) =	ssettag $0x0;
	lr =	simm.s32 $0x1  }
0x2: {  	[smem:$0x3F9C] =	sst lr;
	_ =	strace $0xD0000000  }
0x3: {  	_ = 	snop  }
0x4: {  	_ = 	snop  }
0x5: {  	_ = 	snop  }
0x6: {  	_ = 	snop  }
0x7: {  	_ = 	snop  }
__scs_overlays_trampoline_lowered:
0x8: {  	[smem:$0x3FAB] =	sst s0  }
0x9: {  	[smem:$0x3FAC] =	sst s1  }
0xa: {  	[smem:$0x3FAD] =	sst s2  }
0xb: {  	[smem:$0x3FAE] =	sst s3  }
0xc: {  	[smem:$0x3FAF] =	sst s4  }
0xd: {  	[smem:$0x3FB0] =	sst s5  }
0xe: {  	[smem:$0x3FB1] =	sst s6  }
0xf: {  	[smem:$0x3FB2] =	sst s7  }
0x10: {  	[smem:$0x3FB3] =	sst s8  }
0x11: {  	[smem:$0x3FB4] =	sst s9;
	s0 =	simm.s32 @!p0 $0x0  }
0x12: {  	s1 =	sld [smem:$0x3F9A];
	s0 =	simm.s32 @p0 $0x1  }
0x13: {  	[smem:$0x3FB5] =	sst s0;
	s0 =	simm.s32 @!p1 $0x0  }
0x14: {  	s2 =	sld [smem:$0x3F99];
	s0 =	simm.s32 @p1 $0x1  }
0x15: {  	[smem:$0x3FB6] =	sst s0;
	s0 =	simm.s32 @!p2 $0x0  }
0x16: {  	s3 =	sld [smem:$0x3FDB];
	s0 =	simm.s32 @p2 $0x1  }
0x17: {  	s4 =	simm.s32 $0x1BF5;
	[smem:$0x3FB8] =	sst s0  }
0x18: {  	s0 =	sld [smem:$0x3F9B];
	_ =	swait.ge [sflag:s4], $0x0  }
0x19: {  	s7 =	sld [smem:$0x3F9C]  }
0x1a: {  	s8 =	sadd.s32 $0xFFFFE003, lr  }
0x1b: {  	s9 =	sadd.s32 $0xFFFFFEF7, lr;
	s5 =	simm.s32 $0xFFFFFFFF;
	p2 =	slt.u32 s8, $0xFFFFF086  }
0x1c: {  	p1 =	slt.u32 s9, $0xF7A;
	s5 =	simm.s32 @!p2 $0x0  }
0x1d: {  	s5 =	simm.s32 @p1 $0x1;
	p0 =	seq.s32 s7, s2  }
0x1e: {  	s7 =	smul.u32 @!p0 $0xF7A, s2;
	p2 =	seq.s32 @!p0 s5, $0x0  }
0x1f: {  	s9 =	smul.u32 $0xF7A, s1;
	s8 =	simm.s32 @!p0 $0x1BF5;
	p2 =	por !p2, p0  }
0x20: {  	[sflag:s8] =	ssyncset.s32 @!p0 $0xFFFFF086;
	s6 =	sadd.s32 @!p0 s3, s7;
	s7 =	simm.s32 @!p0 $0x108  }
0x21: {  	s3 =	sadd.s32 s3, s9;
	s6 =	sadd.s32 @!p0 $0x88, s6;
	s7 =	simm.s32 @p2 $0x1082  }
0x22: {  	[simem:s7], [sflag:s8] =	dma.local @!p0 [hbm:s6], $0xF7A  }
0x23: {  	s9 =	sor.u32 $0xD0000000, s2;
	s6 =	simm.s32 $0x108;
	_ =	swait.ge @!p0 [sflag:s8], $0x0  }
0x24: {  	s3 =	sadd.s32 $0x88, s3;
	s6 =	simm.s32 @!p1 $0x1082;
	[sflag:s4] =	ssyncset.s32 $0xFFFFF086  }
0x25: {  	[simem:s6], [sflag:s4] =	dma.local [hbm:s3], $0xF7A  }
0x26: {  	[smem:$0x3F9C] =	sst s1;
	(tag) =	ssettag s2;
	_ =	strace s9  }
0x27: {  	s1 =	sld [smem:$0x3FAC]  }
0x28: {  	s2 =	sld [smem:$0x3FAD]  }
0x29: {  	s4 =	sld [smem:$0x3FAF]  }
0x2a: {  	p0 =	seq.s32 s5, $0x0;
	s5 =	sld [smem:$0x3FB0]  }
0x2b: {  	s6 =	sld [smem:$0x3FB1]  }
0x2c: {  	s7 =	sld [smem:$0x3FB2]  }
0x2d: {  	s3 =	simm.s32 $0x108;
	s8 =	sld [smem:$0x3FB3]  }
0x2e: {  	s3 =	simm.s32 @!p0 $0x1082;
	s9 =	sld [smem:$0x3FB4]  }
0x2f: {  	lr =	sadd.s32 s0, s3;
	s0 =	sld [smem:$0x3FAB]  }
0x30: {  	s3 =	sld [smem:$0x3FAE]  }
0x31: {  	[smem:$0x3FB7] =	sst s10  }
0x32: {  	s10 =	sld [smem:$0x3FB5];
	_ =	sdelay $0x3  }
0x33: {  	p0 =	seq.s32 s10, $0x1;
	s10 =	sld [smem:$0x3FB7];
	_ =	sdelay $0x3  }
0x34: {  	[smem:$0x3FB7] =	sst s10  }
0x35: {  	s10 =	sld [smem:$0x3FB6];
	_ =	sdelay $0x3  }
0x36: {  	p1 =	seq.s32 s10, $0x1;
	s10 =	sld [smem:$0x3FB7];
	_ =	sdelay $0x3  }
0x37: {  	[smem:$0x3FB7] =	sst s10  }
0x38: {  	s10 =	sld [smem:$0x3FB8]  }
0x39: {  	_ = 	snop;
	(pc) =	sbr.ind lr, $3  }
0x3a: {  	_ = 	snop  }
0x3b: {  	_ = 	snop  }
0x3c: {  	p2 =	seq.s32 s10, $0x1;
	s10 =	sld [smem:$0x3FB7]  }
0x3d: {  	_ =	shalt  }
0x3e: {  	_ =	shalt  }
0x3f: {  	_ =	shalt  }
0x40: {  	_ =	shalt  }
0x41: {  	_ =	shalt  }
0x42: {  	_ =	shalt  }
0x43: {  	_ =	shalt  }
0x44: {  	_ =	shalt  }
0x45: {  	_ =	shalt  }
0x46: {  	_ =	shalt  }
0x47: {  	_ =	shalt  }
0x48: {  	_ =	shalt  }
0x49: {  	_ =	shalt  }
0x4a: {  	_ =	shalt  }
0x4b: {  	_ =	shalt  }
0x4c: {  	_ =	shalt  }
0x4d: {  	_ =	shalt  }
0x4e: {  	_ =	shalt  }
0x4f: {  	_ =	shalt  }
0x50: {  	_ =	shalt  }
0x51: {  	_ =	shalt  }
0x52: {  	_ =	shalt  }
0x53: {  	_ =	shalt  }
0x54: {  	_ =	shalt  }
0x55: {  	_ =	shalt  }
0x56: {  	_ =	shalt  }
0x57: {  	_ =	shalt  }
0x58: {  	_ =	shalt  }
0x59: {  	_ =	shalt  }
0x5a: {  	_ =	shalt  }
0x5b: {  	_ =	shalt  }
0x5c: {  	_ =	shalt  }
0x5d: {  	_ =	shalt  }
0x5e: {  	_ =	shalt  }
0x5f: {  	_ =	shalt  }
0x60: {  	_ =	shalt  }
0x61: {  	_ =	shalt  }
0x62: {  	_ =	shalt  }
0x63: {  	_ =	shalt  }
0x64: {  	_ =	shalt  }
0x65: {  	_ =	shalt  }
0x66: {  	_ =	shalt  }
0x67: {  	_ =	shalt  }
0x68: {  	_ =	shalt  }
0x69: {  	_ =	shalt  }
0x6a: {  	_ =	shalt  }
0x6b: {  	_ =	shalt  }
0x6c: {  	_ =	shalt  }
0x6d: {  	_ =	shalt  }
0x6e: {  	_ =	shalt  }
0x6f: {  	_ =	shalt  }
0x70: {  	_ =	shalt  }
0x71: {  	_ =	shalt  }
0x72: {  	_ =	shalt  }
0x73: {  	_ =	shalt  }
0x74: {  	_ =	shalt  }
0x75: {  	_ =	shalt  }
0x76: {  	_ =	shalt  }
0x77: {  	_ =	shalt  }
0x78: {  	_ =	shalt  }
0x79: {  	_ =	shalt  }
0x7a: {  	_ =	shalt  }
0x7b: {  	_ =	shalt  }
0x7c: {  	_ =	shalt  }
0x7d: {  	_ =	shalt  }
0x7e: {  	_ =	shalt  }
0x7f: {  	_ =	shalt  }
0x80: {  	_ =	shalt  }
0x81: {  	_ =	shalt  }
0x82: {  	_ =	shalt  }
0x83: {  	_ =	shalt  }
0x84: {  	_ =	shalt  }
0x85: {  	_ =	shalt  }
0x86: {  	_ =	shalt  }
0x87: {  	_ =	shalt  }
.Lfunc_end0:
.L_simem_size_0:
called_computation_lowered:
.L_overlay_start_0:
0x88: {  	s2 =	sld [smem:$0x3FD9]  }
0x89: {  	s3 =	sld [smem:$0x3FFE];
	_ =	sdelay $0x1  }
0x8a: {  	s1 =	srdreg.scid  }
0x8b: {  	s0 =	sand.u32 $0x1, s1  }
0x8c: {  	s17 =	sshll.u32 s0, $0xA;
	s2 =	sadd.s32 s3, s2  }
0x8d: {  	s2 =	sadd.s32 s2, s17  }
0x8e: {  	[smem:$0x3FC3] =	sst s2  }
0x8f: {  	_ = 	snop  }
0x90: {  	s2 =	sld [smem:$0x3FC9]  }
0x91: {  	s18 =	sld [smem:$0x3FD0];
	(tm) =	ssettm $0x1  }
0x92: {  	s4 =	sld [smem:$0x3FFB];
	_ =	sdelay $0x3  }
0x93: {  	_ =	strace s4  }
0x94: {  	s4 =	sld [smem:$0x3FFC];
	_ =	sdelay $0x3  }
0x95: {  	_ =	strace s4  }
0x96: {  	s4 =	sld [smem:$0x3FFD];
	_ =	sdelay $0x3  }
0x97: {  	_ =	strace s4  }
0x98: {  	_ =	strace $0x8FFFFFFF  }
0x99: {  	s19 =	sld [smem:$0x3FDB];
	_ =	sdelay $0x1  }
0x9a: {  	s5 =	simm.s32 $_scs_section_size  }
0x9b: {  	s6 =	simm.s32 $_size__tile_overlayer_lowered;
	s7 =	simm.s32 $_tile_overlayer_lowered  }
0x9c: {  	s22 =	simm.s32 $0x1BFF;
	s21 =	sshll.u32 s7, $0x1;
	s4 =	sadd.s32 s5, s19  }
0x9d: {  	s8 =	simm.s32 $0x0;
	s20 =	sshll.u32 s6, $0x1;
	s6 =	sadd.s32 s21, s4  }
0x9e: {  	[timem:s8], [sflag:s22] =	dma.local [hbm:s6], s20  }
0x9f: {  	_ =	swait.ge [sflag:s22], s20  }
0xa0: {  	s5 =	ssub.s32 $0x0, s20;
	[sflag:s22] =	ssyncset.done $0x0  }
0xa1: {  	[sflag:s22] =	ssyncadd.s32 s5;
	_ =	sdelay $0x1  }
0xa2: {  	s23 =	simm.s32 $0x1B8B  }
0xa3: {  	_ =	swait.ge [sflag:s23], $0x1  }
0xa4: {  	[sflag:s23] =	ssyncset.done $0x0  }
0xa5: {  	s25 =	simm.s32 $0x1B8E;
	s24 =	sld [smem:$0x3FFE];
	[sflag:s23] =	ssyncadd.s32 $0xFFFFFFFF  }
0xa6: {  	s26 =	simm.s32 $execute0_lowered;
	[smem:$0x3FD2] =	sst s25  }
0xa7: {  	s6 =	sshll.u32 s26, $0x1;
	_ =	strace $0x80000046;
	[dreg:$0x1] =	wrdreg $0xFFFFFFFF  }
0xa8: {  	s28 =	simm.s32 $_size_execute0_lowered;
	s4 =	sadd.s32 s4, s6;
	[dreg:$0x0] =	wrdreg $0x0  }
0xa9: {  	s6 =	sshll.u32 s28, $0x1;
	[dreg:$0x2] =	wrdreg s4  }
0xaa: {  	[dreg:$0x3] =	wrdreg s6  }
0xab: {  	[dreg:$0x4] =	wrdreg $0xC0  }
0xac: {  	_ =	task [dreg:s8], $0x5FFFF  }
0xad: {  	[dreg:$0x1] =	wrdreg $0xFFFFFFFF  }
0xae: {  	[dreg:$0x0] =	wrdreg $0x60  }
0xaf: {  	[dreg:$0x2] =	wrdreg s2  }
0xb0: {  	[dreg:$0x3] =	wrdreg s24  }
0xb1: {  	[dreg:$0x4] =	wrdreg s18  }
0xb2: {  	[dreg:$0x5] =	wrdreg $0x9  }
0xb3: {  	_ =	task.clear_ibuf [dreg:s8], $0x6FFFF;
	_ =	strace $0x90000046  }
0xb4: {  	s29 =	simm.s32 $0x9;
	_ =	strace $0x80000048  }
0xb5: {  	_ =	swait.ge [sflag:s29], $0x1  }
0xb6: {  	[sflag:s29] =	ssyncadd.s32 $0xFFFFFFFF  }
0xb7: {  	_ =	strace $0x90000048  }
0xb8: {  	_ =	sfence  }
0xb9: {  	s30 =	sld [smem:$0x0];
	_ =	sdelay $0x2  }
0xba: {  	s31 =	sshll.u32 s1, $0xD;
	s1 =	sshrl.u32 s1, $0x2  }
0xbb: {  	s3 =	sand.u32 $0x4000, s31;
	s1 =	sadd.s32 s1, s30  }
0xbc: {  	s0 =	sor.u32 s3, s0;
	s1 =	sshll.u32 s1, $0x11  }
0xbd: {  	s0 =	sor.u32 s1, s0  }
0xbe: {  	s0 =	sadd.s32 $0x8F2B, s0  }
0xbf: {  	[sflag:s0] =	ssyncadd.remote.s32 $0x1  }
0xc0: {  	_ =	sfence.sel $0xFFFF  }
0xc1: {  	[dreg:$0x0] =	wrdreg $0xFFFFFFFF;
	(pc) =	sbr.abs _section_cstart, $3  }
0xc2: {  	[dreg:$0x1] =	wrdreg $0xFFFFFFFF  }
0xc3: {  	_ =	task.clear_ibuf [dreg:s8], $0x2FFFF;
	_ =	strace $0x9FFFFFFF  }
0xc4: {  	(tm) =	ssettm $0x7FFFFFFF  }
0xc5: {  	_ =	shalt  }
tec
execute0_lowered:
.L_overlay_start_1:
0x0: {  	(tag) =	ssettag $0x1  }
0x1: {  	s0 =	srdreg.scid  }
0x2: {  	s2 =	stileid.u32;
	s1 =	rddreg [dreg:$0x0]  }
0x3: {  	s11 =	rddreg [dreg:$0x2];
	s15 =	simm.s32 $0xC40;
	s16 =	simm.s32 $0x620  }
0x4: {  	s19 =	simm.s32 $0x186A0;
	s24 =	simm.s32 $0x2;
	s25 =	simm.s32 $0x1  }
0x5: {  	s26 =	simm.s32 $0xCE0;
	s0 =	sand.u32 $0x1, s0;
	s3 =	sshll.u32 s2, $0x1  }
0x6: {  	s28 =	simm.s32 $0xB860;
	s29 =	simm.s32 $0x3;
	s3 =	sor.u32 s0, s3  }
0x7: {  	s30 =	simm.s32 $0x0;
	s2 =	rddreg [dreg:$0x1];
	s4 =	smul.u32 $0xC35, s3  }
0x8: {  	s9 =	sadd.s32 $0x200, s2;
	s10 =	sadd.s32 $0x3400, s2;
	s0 =	ssub.s32 $0x2, s0  }
0x9: {  	s13 =	sadd.s32 $0x6600, s2;
	s3 =	simm.s32 $0x0;
	s4 =	sand.u32 $0x1FFF8, s4  }
0xa: {  	v0 =	vlaneseq.u32;
	s31 =	sshrl.u32 s0, $0x1;
	[smem:$0x7FF] =	sst s3;
	s4 =	smin.u32 s4, $0x17A60  }
0xb: {  	v1 =	vor.u32 $0x620, v0;
	v2 =	vor.u32 $0xC40, v0;
	v3 =	vor.u32 $0x1260, v0;
	s0 =	ssub.s32 s0, s31;
	_ =	strace $0x80000047;
	s12 =	sshrl.u32 s4, $0x3  }
0xc: {  	v4 =	vor.u32 $0x1880, v0;
	v5 =	vor.u32 $0x1EA0, v0;
	v6 =	vor.u32 $0x24C0, v0;
	s14 =	sadd.s32 $0xC4, s12;
	s4 =	sadd.s32 s1, s12;
	s6 =	sadd.s32 s9, s12  }
0xd: {  	v7 =	vor.u32 $0x2AE0, v0;
	v8 =	vor.u32 $0x3100, v0;
	v9 =	vor.u32 $0x3720, v0;
	s7 =	sadd.s32 s10, s12;
	s8 =	sadd.s32 s11, s12;
	s12 =	sadd.s32 s13, s12  }
0xe: {  	v10 =	vor.u32 $0x3D40, v0;
	v11 =	vor.u32 $0x4360, v0;
	v12 =	vor.u32 $0x4980, v0;
	s5 =	sadd.s32 s1, s14;
	s9 =	sadd.s32 s9, s14;
	s10 =	sadd.s32 s10, s14  }
0xf: {  	v13 =	vor.u32 $0x4FA0, v0;
	v14 =	vor.u32 $0x55C0, v0;
	v15 =	vor.u32 $0x5BE0, v0;
	s11 =	sadd.s32 s11, s14;
	s13 =	sadd.s32 s13, s14;
	s14 =	smax.u32 s0, $0x1  }
.LBB2_1:
0x10: {  	[tilespmem:s15], [sflag:$0x2] =	stream.linear.gather [hbm4b:s2+s3], $0xA0, $0x38;
	[tilespmem:$0x163E0] =	vst v63  }
0x11: {  	_ = 	snop  }
0x12: {  	[tilespmem:s3], [sflag:$0x1] =	stream.linear.gather [hbm4b:s4+s3], $0x620, $0x38;
	[tilespmem:$0x163E0] =	vst v63  }
0x13: {  	_ = 	snop  }
0x14: {  	[tilespmem:s16], [sflag:$0x1] =	stream.linear.gather [hbm4b:s5+s3], $0x620, $0x38;
	[tilespmem:$0x163E0] =	vst v63  }
0x15: {  	s0 =	simm.s32 $0x6EE0  }
0x16: {  	[tilespmem:s0], [sflag:$0x2] =	stream.linear.gather [hbm4b:s6+s3], $0x620, $0x38;
	[tilespmem:$0x163E0] =	vst v63  }
0x17: {  	s18 =	simm.s32 $0x7500  }
0x18: {  	[tilespmem:s18], [sflag:$0x2] =	stream.linear.gather [hbm4b:s7+s3], $0x620, $0x38;
	[tilespmem:$0x163E0] =	vst v63  }
0x19: {  	s20 =	simm.s32 $0x7B20  }
0x1a: {  	[tilespmem:s20], [sflag:$0x2] =	stream.strided.gather [hbm4b:s8+s16], $0x3D40, s19, s16, $0x38;
	[tilespmem:$0x163E0] =	vst v63  }
0x1b: {  	s21 =	simm.s32 $0x11A60  }
0x1c: {  	[tilespmem:s21], [sflag:$0x2] =	stream.linear.gather [hbm4b:s9+s3], $0x620, $0x38;
	[tilespmem:$0x163E0] =	vst v63  }
0x1d: {  	s22 =	simm.s32 $0x12080  }
0x1e: {  	[tilespmem:s22], [sflag:$0x2] =	stream.linear.gather [hbm4b:s10+s3], $0x620, $0x38;
	[tilespmem:$0x163E0] =	vst v63  }
0x1f: {  	s23 =	simm.s32 $0x126A0  }
0x20: {  	[tilespmem:s23], [sflag:$0x2] =	stream.strided.gather [hbm4b:s11+s16], $0x3D40, s19, s16, $0x38;
	[tilespmem:$0x163E0] =	vst v63  }
0x21: {  	s21 =	simm.s32 $0x0;
	_ =	swait.ge [sflag:s24], $0xA0  }
0x22: {  	v16 =	vor.u32 s21, v0;
	[sflag:s24] =	ssyncset.done $0x0  }
0x23: {  	[sflag:s24] =	ssyncadd.s32 $0xFFFFFF60  }
0x24: {  	_ =	swait.ge [sflag:s25], $0x620  }
0x25: {  	[sflag:s25] =	ssyncset.done $0x0  }
0x26: {  	[sflag:s25] =	ssyncadd.s32 $0xFFFFF9E0  }
0x27: {  	v17 =	vld.idx.msk [tilespmem:v16+s3+$0x0], $0xffff;
	_ =	sdelay $0x4  }
0x28: {  	v22 =	vshll.u32 v17, $0x4;
	_ =	sdelay $0x3  }
0x29: {  	s17 =	simm.s32 $0x10  }
0x2a: {  	v17 =	vor.u32 s17, v0;
	v18 =	vld.idx.msk [tilespmem:v22+s15+$0x0], $0xffff  }
0x2b: {  	v19 =	vor.u32 $0x1, v22;
	_ =	sdelay $0x3  }
0x2c: {  	v20 =	vld.idx.msk [tilespmem:v17+s3+$0x0], $0xffff;
	[tilespmem:v16+s26+$0x0] =	vst.idx.msk $0xffff, v18  }
0x2d: {  	v16 =	vld.idx.msk [tilespmem:v19+s15+$0x0], $0xffff;
	v19 =	vadd.s32 s21, v1  }
0x2e: {  	v21 =	vor.u32 $0x2, v22;
	_ =	sdelay $0x2  }
0x2f: {  	v18 =	vshll.u32 v20, $0x4  }
0x30: {  	[tilespmem:v19+s26+$0x0] =	vst.idx.msk $0xffff, v16  }
0x31: {  	v19 =	vadd.s32 s21, v2;
	v16 =	vld.idx.msk [tilespmem:v21+s15+$0x0], $0xffff  }
0x32: {  	s31 =	simm.s32 $0x20;
	v20 =	vor.u32 $0x3, v22  }
0x33: {  	v21 =	vor.u32 s31, v0  }
0x34: {  	v23 =	vld.idx.msk [tilespmem:v18+s15+$0x0], $0xffff  }
0x35: {  	v24 =	vor.u32 $0x1, v18  }
0x36: {  	[tilespmem:v19+s26+$0x0] =	vst.idx.msk $0xffff, v16  }
0x37: {  	v19 =	vadd.s32 s21, v3;
	v16 =	vld.idx.msk [tilespmem:v20+s15+$0x0], $0xffff  }
0x38: {  	v25 =	vor.u32 $0x4, v22;
	v20 =	vld.idx.msk [tilespmem:v21+s3+$0x0], $0xffff  }
0x39: {  	[tilespmem:v17+s26+$0x0] =	vst.idx.msk $0xffff, v23  }
0x3a: {  	v23 =	vadd.s32 s17, v1;
	v17 =	vld.idx.msk [tilespmem:v24+s15+$0x0], $0xffff  }
0x3b: {  	v24 =	vor.u32 $0x2, v18  }
0x3c: {  	[tilespmem:v19+s26+$0x0] =	vst.idx.msk $0xffff, v16  }
0x3d: {  	v16 =	vshll.u32 v20, $0x4;
	v20 =	vadd.s32 s21, v4;
	v19 =	vld.idx.msk [tilespmem:v25+s15+$0x0], $0xffff  }
0x3e: {  	v25 =	vor.u32 $0x5, v22  }
0x3f: {  	[tilespmem:v23+s26+$0x0] =	vst.idx.msk $0xffff, v17  }
0x40: {  	v23 =	vadd.s32 s17, v2;
	v17 =	vld.idx.msk [tilespmem:v24+s15+$0x0], $0xffff  }
0x41: {  	s1 =	simm.s32 $0x30;
	v24 =	vor.u32 $0x3, v18  }
0x42: {  	v26 =	vor.u32 s1, v0;
	v27 =	vld.idx.msk [tilespmem:v16+s15+$0x0], $0xffff;
	[tilespmem:v20+s26+$0x0] =	vst.idx.msk $0xffff, v19  }
0x43: {  	v20 =	vor.u32 $0x1, v16;
	v19 =	vld.idx.msk [tilespmem:v25+s15+$0x0], $0xffff;
	v25 =	vadd.s32 s21, v5  }
0x44: {  	v28 =	vor.u32 $0x6, v22  }
0x45: {  	[tilespmem:v23+s26+$0x0] =	vst.idx.msk $0xffff, v17  }
0x46: {  	v23 =	vadd.s32 s17, v3;
	v17 =	vld.idx.msk [tilespmem:v24+s15+$0x0], $0xffff  }
0x47: {  	v24 =	vld.idx.msk [tilespmem:v26+s3+$0x0], $0xffff;
	[tilespmem:v21+s26+$0x0] =	vst.idx.msk $0xffff, v27;
	v21 =	vor.u32 $0x4, v18  }
0x48: {  	v20 =	vld.idx.msk [tilespmem:v20+s15+$0x0], $0xffff;
	[tilespmem:v25+s26+$0x0] =	vst.idx.msk $0xffff, v19;
	v19 =	vadd.s32 s31, v1  }
0x49: {  	v27 =	vor.u32 $0x2, v16;
	v25 =	vld.idx.msk [tilespmem:v28+s15+$0x0], $0xffff;
	v28 =	vadd.s32 s21, v6  }
0x4a: {  	v29 =	vor.u32 $0x7, v22  }
0x4b: {  	[tilespmem:v23+s26+$0x0] =	vst.idx.msk $0xffff, v17  }
0x4c: {  	v17 =	vshll.u32 v24, $0x4;
	v23 =	vadd.s32 s17, v4;
	v21 =	vld.idx.msk [tilespmem:v21+s15+$0x0], $0xffff  }
0x4d: {  	s0 =	simm.s32 $0x40;
	[tilespmem:v19+s26+$0x0] =	vst.idx.msk $0xffff, v20;
	v19 =	vor.u32 $0x5, v18  }
0x4e: {  	v20 =	vor.u32 s0, v0;
	v24 =	vld.idx.msk [tilespmem:v27+s15+$0x0], $0xffff;
	[tilespmem:v28+s26+$0x0] =	vst.idx.msk $0xffff, v25;
	v25 =	vadd.s32 s31, v2  }
0x4f: {  	v28 =	vor.u32 $0x3, v16;
	v27 =	vld.idx.msk [tilespmem:v29+s15+$0x0], $0xffff;
	v29 =	vadd.s32 s21, v7  }
0x50: {  	v30 =	vor.u32 $0x8, v22  }
0x51: {  	v31 =	vld.idx.msk [tilespmem:v17+s15+$0x0], $0xffff;
	[tilespmem:v23+s26+$0x0] =	vst.idx.msk $0xffff, v21  }
0x52: {  	v21 =	vor.u32 $0x1, v17;
	v23 =	vadd.s32 s17, v5;
	v19 =	vld.idx.msk [tilespmem:v19+s15+$0x0], $0xffff  }
0x53: {  	v32 =	vld.idx.msk [tilespmem:v20+s3+$0x0], $0xffff;
	[tilespmem:v25+s26+$0x0] =	vst.idx.msk $0xffff, v24;
	v24 =	vor.u32 $0x6, v18  }
0x54: {  	v25 =	vld.idx.msk [tilespmem:v28+s15+$0x0], $0xffff;
	[tilespmem:v29+s26+$0x0] =	vst.idx.msk $0xffff, v27;
	v27 =	vadd.s32 s31, v3  }
0x55: {  	v29 =	vor.u32 $0x4, v16;
	v28 =	vld.idx.msk [tilespmem:v30+s15+$0x0], $0xffff;
	v30 =	vadd.s32 s21, v8  }
0x56: {  	[tilespmem:v26+s26+$0x0] =	vst.idx.msk $0xffff, v31;
	v26 =	vor.u32 $0x9, v22  }
0x57: {  	v21 =	vld.idx.msk [tilespmem:v21+s15+$0x0], $0xffff;
	[tilespmem:v23+s26+$0x0] =	vst.idx.msk $0xffff, v19;
	v23 =	vadd.s32 s1, v1  }
0x58: {  	v33 =	vadd.s32 s17, v6;
	v31 =	vor.u32 $0x2, v17;
	v24 =	vld.idx.msk [tilespmem:v24+s15+$0x0], $0xffff  }
0x59: {  	[tilespmem:v27+s26+$0x0] =	vst.idx.msk $0xffff, v25;
	v25 =	vor.u32 $0x7, v18  }
0x5a: {  	v19 =	vshll.u32 v32, $0x4;
	v27 =	vld.idx.msk [tilespmem:v29+s15+$0x0], $0xffff;
	[tilespmem:v30+s26+$0x0] =	vst.idx.msk $0xffff, v28;
	v28 =	vadd.s32 s31, v4  }
0x5b: {  	v29 =	vor.u32 $0x5, v16;
	v30 =	vadd.s32 s21, v9;
	v26 =	vld.idx.msk [tilespmem:v26+s15+$0x0], $0xffff  }
0x5c: {  	s18 =	simm.s32 $0x50;
	[tilespmem:v23+s26+$0x0] =	vst.idx.msk $0xffff, v21;
	v21 =	vor.u32 $0xA, v22  }
0x5d: {  	v46 =	vor.u32 s18, v0;
	v23 =	vld.idx.msk [tilespmem:v31+s15+$0x0], $0xffff;
	[tilespmem:v33+s26+$0x0] =	vst.idx.msk $0xffff, v24;
	v24 =	vadd.s32 s1, v2  }
0x5e: {  	v47 =	vadd.s32 s17, v7;
	v31 =	vor.u32 $0x3, v17;
	v25 =	vld.idx.msk [tilespmem:v25+s15+$0x0], $0xffff  }
0x5f: {  	v34 =	vld.idx.msk [tilespmem:v19+s15+$0x0], $0xffff;
	[tilespmem:v28+s26+$0x0] =	vst.idx.msk $0xffff, v27;
	v27 =	vor.u32 $0x8, v18  }
0x60: {  	v28 =	vld.idx.msk [tilespmem:v29+s15+$0x0], $0xffff;
	[tilespmem:v30+s26+$0x0] =	vst.idx.msk $0xffff, v26;
	v26 =	vor.u32 $0x1, v19;
	v29 =	vadd.s32 s31, v5  }
0x61: {  	v35 =	vadd.s32 s21, v10;
	v30 =	vor.u32 $0x6, v16;
	v21 =	vld.idx.msk [tilespmem:v21+s15+$0x0], $0xffff  }
0x62: {  	s20 =	simm.s32 $0x60;
	v36 =	vld.idx.msk [tilespmem:v46+s3+$0x0], $0xffff;
	[tilespmem:v24+s26+$0x0] =	vst.idx.msk $0xffff, v23;
	v24 =	vor.u32 $0xB, v22  }
0x63: {  	v23 =	vor.u32 s20, v0;
	v31 =	vld.idx.msk [tilespmem:v31+s15+$0x0], $0xffff;
	[tilespmem:v47+s26+$0x0] =	vst.idx.msk $0xffff, v25;
	v25 =	vadd.s32 s1, v3  }
0x64: {  	v48 =	vadd.s32 s17, v8;
	[tilespmem:v20+s26+$0x0] =	vst.idx.msk $0xffff, v34;
	v20 =	vor.u32 $0x4, v17;
	v27 =	vld.idx.msk [tilespmem:v27+s15+$0x0], $0xffff  }
0x65: {  	v26 =	vld.idx.msk [tilespmem:v26+s15+$0x0], $0xffff;
	[tilespmem:v29+s26+$0x0] =	vst.idx.msk $0xffff, v28;
	v28 =	vor.u32 $0x9, v18;
	v29 =	vadd.s32 s0, v1  }
0x66: {  	v49 =	vadd.s32 s31, v6;
	v30 =	vld.idx.msk [tilespmem:v30+s15+$0x0], $0xffff;
	[tilespmem:v35+s26+$0x0] =	vst.idx.msk $0xffff, v21;
	v21 =	vor.u32 $0x2, v19  }
0x67: {  	v37 =	vadd.s32 s21, v11;
	v50 =	vor.u32 $0x7, v16;
	v24 =	vld.idx.msk [tilespmem:v24+s15+$0x0], $0xffff  }
0x68: {  	v38 =	vld.idx.msk [tilespmem:v23+s3+$0x0], $0xffff;
	[tilespmem:v25+s26+$0x0] =	vst.idx.msk $0xffff, v31;
	v25 =	vor.u32 $0xC, v22  }
0x69: {  	v31 =	vld.idx.msk [tilespmem:v20+s15+$0x0], $0xffff;
	[tilespmem:v48+s26+$0x0] =	vst.idx.msk $0xffff, v27;
	v20 =	vshll.u32 v36, $0x4;
	v27 =	vadd.s32 s1, v4  }
0x6a: {  	v28 =	vld.idx.msk [tilespmem:v28+s15+$0x0], $0xffff;
	[tilespmem:v29+s26+$0x0] =	vst.idx.msk $0xffff, v26;
	v26 =	vor.u32 $0x5, v17;
	v29 =	vadd.s32 s17, v9  }
0x6b: {  	v51 =	vadd.s32 s0, v2;
	v21 =	vld.idx.msk [tilespmem:v21+s15+$0x0], $0xffff;
	[tilespmem:v49+s26+$0x0] =	vst.idx.msk $0xffff, v30;
	v30 =	vor.u32 $0xA, v18  }
0x6c: {  	v52 =	vadd.s32 s31, v7;
	v34 =	vld.idx.msk [tilespmem:v50+s15+$0x0], $0xffff;
	[tilespmem:v37+s26+$0x0] =	vst.idx.msk $0xffff, v24;
	v24 =	vor.u32 $0x3, v19  }
0x6d: {  	v54 =	vadd.s32 s21, v12;
	v53 =	vor.u32 $0x8, v16;
	v25 =	vld.idx.msk [tilespmem:v25+s15+$0x0], $0xffff  }
0x6e: {  	v39 =	vld.idx.msk [tilespmem:v20+s15+$0x0], $0xffff;
	[tilespmem:v27+s26+$0x0] =	vst.idx.msk $0xffff, v31;
	v27 =	vor.u32 $0xD, v22  }
0x6f: {  	v26 =	vld.idx.msk [tilespmem:v26+s15+$0x0], $0xffff;
	[tilespmem:v29+s26+$0x0] =	vst.idx.msk $0xffff, v28;
	v28 =	vor.u32 $0x1, v20;
	v29 =	vadd.s32 s1, v5  }
0x70: {  	v31 =	vadd.s32 s17, v10;
	v30 =	vld.idx.msk [tilespmem:v30+s15+$0x0], $0xffff;
	[tilespmem:v51+s26+$0x0] =	vst.idx.msk $0xffff, v21;
	v21 =	vor.u32 $0x6, v17  }
0x71: {  	s23 =	simm.s32 $0x70;
	v55 =	vor.u32 $0xB, v18;
	v33 =	vld.idx.msk [tilespmem:v24+s15+$0x0], $0xffff;
	[tilespmem:v52+s26+$0x0] =	vst.idx.msk $0xffff, v34  }
0x72: {  	v56 =	vadd.s32 s0, v3;
	v24 =	vor.u32 s23, v0;
	v36 =	vld.idx.msk [tilespmem:v53+s15+$0x0], $0xffff;
	[tilespmem:v54+s26+$0x0] =	vst.idx.msk $0xffff, v25  }
0x73: {  	v57 =	vadd.s32 s31, v8;
	v25 =	vor.u32 $0x4, v19;
	[tilespmem:v46+s26+$0x0] =	vst.idx.msk $0xffff, v39;
	v27 =	vld.idx.msk [tilespmem:v27+s15+$0x0], $0xffff  }
0x74: {  	v28 =	vld.idx.msk [tilespmem:v28+s15+$0x0], $0xffff;
	[tilespmem:v29+s26+$0x0] =	vst.idx.msk $0xffff, v26;
	v26 =	vor.u32 $0x9, v16;
	v29 =	vadd.s32 s21, v13  }
0x75: {  	v58 =	vadd.s32 s18, v1;
	v40 =	vld.idx.msk [tilespmem:v21+s15+$0x0], $0xffff;
	[tilespmem:v31+s26+$0x0] =	vst.idx.msk $0xffff, v30;
	v30 =	vor.u32 $0xE, v22  }
0x76: {  	v31 =	vor.u32 $0x2, v20;
	v34 =	vld.idx.msk [tilespmem:v55+s15+$0x0], $0xffff  }
0x77: {  	v41 =	vadd.s32 s1, v6;
	v21 =	vshll.u32 v38, $0x4;
	v32 =	vld.idx.msk [tilespmem:v24+s3+$0x0], $0xffff;
	[tilespmem:v56+s26+$0x0] =	vst.idx.msk $0xffff, v33  }
0x78: {  	v60 =	vadd.s32 s17, v11;
	v59 =	vor.u32 $0x7, v17;
	v25 =	vld.idx.msk [tilespmem:v25+s15+$0x0], $0xffff;
	[tilespmem:v57+s26+$0x0] =	vst.idx.msk $0xffff, v36  }
0x79: {  	v62 =	vadd.s32 s0, v4;
	v61 =	vor.u32 $0xC, v18;
	v26 =	vld.idx.msk [tilespmem:v26+s15+$0x0], $0xffff;
	[tilespmem:v29+s26+$0x0] =	vst.idx.msk $0xffff, v27  }
0x7a: {  	v42 =	vadd.s32 s31, v9;
	[tilespmem:v58+s26+$0x0] =	vst.idx.msk $0xffff, v28;
	v27 =	vor.u32 $0x5, v19;
	v30 =	vld.idx.msk [tilespmem:v30+s15+$0x0], $0xffff  }
0x7b: {  	v44 =	vadd.s32 s21, v14;
	v63 =	vor.u32 $0xA, v16;
	v43 =	vld.idx.msk [tilespmem:v31+s15+$0x0], $0xffff  }
0x7c: {  	v45 =	vadd.s32 s18, v2;
	v22 =	vor.u32 $0xF, v22;
	[tilespmem:v41+s26+$0x0] =	vst.idx.msk $0xffff, v40;
	v39 =	vld.idx.msk [tilespmem:v21+s15+$0x0], $0xffff  }
0x7d: {  	v38 =	vor.u32 $0x3, v20;
	v31 =	vld.idx.msk [tilespmem:v59+s15+$0x0], $0xffff;
	[tilespmem:v60+s26+$0x0] =	vst.idx.msk $0xffff, v34;
	v34 =	vadd.s32 s1, v7  }
0x7e: {  	v33 =	vadd.s32 s17, v12;
	v28 =	vor.u32 $0x8, v17;
	v29 =	vld.idx.msk [tilespmem:v61+s15+$0x0], $0xffff;
	[tilespmem:v62+s26+$0x0] =	vst.idx.msk $0xffff, v25  }
0x7f: {  	v25 =	vor.u32 $0xD, v18;
	v35 =	vld.idx.msk [tilespmem:v27+s15+$0x0], $0xffff;
	[tilespmem:v42+s26+$0x0] =	vst.idx.msk $0xffff, v26  }
0x80: {  	v36 =	vadd.s32 s0, v5;
	v40 =	vor.u32 $0x1, v21;
	v26 =	vld.idx.msk [tilespmem:v63+s15+$0x0], $0xffff;
	[tilespmem:v44+s26+$0x0] =	vst.idx.msk $0xffff, v30  }
0x81: {  	s22 =	simm.s32 $0x70;
	v37 =	vor.u32 $0x6, v19;
	[tilespmem:v45+s26+$0x0] =	vst.idx.msk $0xffff, v43;
	v30 =	vadd.s32 s31, v10;
	v27 =	vld.idx.msk [tilespmem:v22+s15+$0x0], $0xffff  }
.LBB2_2:
0x82: {  	s23 =	sadd.s32 $0x10, s23;
	v22 =	vld.idx.msk [tilespmem:v38+s15+$0x0], $0xffff;
	[tilespmem:v34+s26+$0x0] =	vst.idx.msk $0xffff, v31;
	v31 =	vor.u32 $0xB, v16;
	v34 =	vadd.s32 s21, v15;
	s21 =	smov.u32 s17;
	s17 =	smov.u32 s31  }
0x83: {  	v41 =	vadd.s32 s18, v3;
	s31 =	smov.u32 s1;
	s1 =	smov.u32 s0;
	v38 =	vor.u32 s23, v0;
	p0 =	slt.u32 s23, $0x610;
	v28 =	vld.idx.msk [tilespmem:v28+s15+$0x0], $0xffff;
	[tilespmem:v33+s26+$0x0] =	vst.idx.msk $0xffff, v29  }
0x84: {  	s0 =	smov.u32 s18;
	s18 =	smov.u32 s20;
	s20 =	smov.u32 s22;
	v29 =	vor.u32 $0x4, v20;
	v33 =	vadd.s32 s31, v8;
	[tilespmem:v23+s26+$0x0] =	vst.idx.msk $0xffff, v39;
	v25 =	vld.idx.msk [tilespmem:v25+s15+$0x0], $0xffff;
	v23 =	vmovc v24;
	v24 =	vmov v38  }
0x85: {  	s22 =	smov.u32 s23;
	v39 =	vld.idx.msk [tilespmem:v40+s15+$0x0], $0xffff;
	[tilespmem:v36+s26+$0x0] =	vst.idx.msk $0xffff, v35;
	v35 =	vor.u32 $0x9, v17;
	v36 =	vadd.s32 s21, v13  }
0x86: {  	v40 =	vadd.s32 s18, v1;
	v37 =	vld.idx.msk [tilespmem:v37+s15+$0x0], $0xffff;
	[tilespmem:v30+s26+$0x0] =	vst.idx.msk $0xffff, v26;
	v26 =	vor.u32 $0xE, v18  }
0x87: {  	v42 =	vadd.s32 s1, v6;
	v30 =	vor.u32 $0x2, v21;
	v43 =	vld.idx.msk [tilespmem:v31+s15+$0x0], $0xffff;
	[tilespmem:v34+s26+$0x0] =	vst.idx.msk $0xffff, v27  }
0x88: {  	v34 =	vadd.s32 s17, v11;
	v27 =	vld.idx.msk [tilespmem:v38+s3+$0x0], $0xffff;
	[tilespmem:v41+s26+$0x0] =	vst.idx.msk $0xffff, v22;
	v22 =	vor.u32 $0x7, v19  }
0x89: {  	v41 =	vld.idx.msk [tilespmem:v29+s15+$0x0], $0xffff;
	[tilespmem:v33+s26+$0x0] =	vst.idx.msk $0xffff, v28;
	v28 =	vor.u32 $0xC, v16  }
0x8a: {  	v44 =	vshll.u32 v32, $0x4;
	v33 =	vadd.s32 s0, v4;
	v45 =	vld.idx.msk [tilespmem:v35+s15+$0x0], $0xffff;
	[tilespmem:v36+s26+$0x0] =	vst.idx.msk $0xffff, v25  }
0x8b: {  	v25 =	vor.u32 $0x5, v20;
	v36 =	vadd.s32 s31, v9;
	[tilespmem:v40+s26+$0x0] =	vst.idx.msk $0xffff, v39;
	v46 =	vld.idx.msk [tilespmem:v26+s15+$0x0], $0xffff  }
0x8c: {  	v26 =	vor.u32 $0xA, v17;
	v30 =	vld.idx.msk [tilespmem:v30+s15+$0x0], $0xffff;
	[tilespmem:v42+s26+$0x0] =	vst.idx.msk $0xffff, v37;
	v37 =	vadd.s32 s21, v14  }
0x8d: {  	v42 =	vadd.s32 s18, v2;
	v31 =	vld.idx.msk [tilespmem:v22+s15+$0x0], $0xffff;
	[tilespmem:v34+s26+$0x0] =	vst.idx.msk $0xffff, v43;
	v22 =	vor.u32 $0xF, v18;
	v18 =	vmovc v16;
	v16 =	vmov v17  }
.Ltmp0:
0x8e: {  	v38 =	vor.u32 $0x3, v21;
	v34 =	vadd.s32 s1, v7;
	v32 =	vmovc v27;
	v17 =	vmovc v19;
	v19 =	vmov v20;
	v29 =	vld.idx.msk [tilespmem:v28+s15+$0x0], $0xffff;
	(pc) =	sbr.rel @p0 .LBB2_2-.Ltmp0, $4  }
0x8f: {  	v20 =	vmovc v21;
	v21 =	vmov v44;
	v28 =	vor.u32 $0x8, v17;
	v39 =	vld.idx.msk [tilespmem:v44+s15+$0x0], $0xffff;
	[tilespmem:v33+s26+$0x0] =	vst.idx.msk $0xffff, v41;
	v33 =	vadd.s32 s17, v12  }
0x90: {  	v35 =	vld.idx.msk [tilespmem:v25+s15+$0x0], $0xffff;
	[tilespmem:v36+s26+$0x0] =	vst.idx.msk $0xffff, v45;
	v25 =	vor.u32 $0xD, v18  }
0x91: {  	v40 =	vor.u32 $0x1, v21;
	v36 =	vadd.s32 s0, v5;
	v26 =	vld.idx.msk [tilespmem:v26+s15+$0x0], $0xffff;
	[tilespmem:v37+s26+$0x0] =	vst.idx.msk $0xffff, v46  }
0x92: {  	v37 =	vor.u32 $0x6, v19;
	[tilespmem:v42+s26+$0x0] =	vst.idx.msk $0xffff, v30;
	v30 =	vadd.s32 s31, v10;
	v27 =	vld.idx.msk [tilespmem:v22+s15+$0x0], $0xffff  }
0x93: {  	v22 =	vshll.u32 v32, $0x4;
	_ =	sdelay $0x4  }
0x94: {  	v32 =	vld.idx.msk [tilespmem:v22+s15+$0x0], $0xffff  }
0x95: {  	v41 =	vor.u32 $0x1, v22;
	_ =	sdelay $0x2  }
0x96: {  	[tilespmem:v23+s26+$0x0] =	vst.idx.msk $0xffff, v39  }
0x97: {  	v49 =	vadd.s32 s20, v1;
	v23 =	vld.idx.msk [tilespmem:v40+s15+$0x0], $0xffff;
	[tilespmem:v24+s26+$0x0] =	vst.idx.msk $0xffff, v32  }
0x98: {  	v50 =	vadd.s32 s22, v1;
	v24 =	vor.u32 $0x2, v21;
	v32 =	vld.idx.msk [tilespmem:v41+s15+$0x0], $0xffff  }
0x99: {  	v51 =	vor.u32 $0x2, v22;
	_ =	sdelay $0x2  }
0x9a: {  	[tilespmem:v49+s26+$0x0] =	vst.idx.msk $0xffff, v23  }
0x9b: {  	v23 =	vld.idx.msk [tilespmem:v24+s15+$0x0], $0xffff;
	v24 =	vadd.s32 s20, v2;
	[tilespmem:v50+s26+$0x0] =	vst.idx.msk $0xffff, v32  }
0x9c: {  	v52 =	vor.u32 $0x3, v21;
	v54 =	vadd.s32 s22, v2;
	v53 =	vld.idx.msk [tilespmem:v51+s15+$0x0], $0xffff  }
0x9d: {  	v55 =	vor.u32 $0x3, v22;
	_ =	sdelay $0x2  }
0x9e: {  	v38 =	vld.idx.msk [tilespmem:v38+s15+$0x0], $0xffff;
	v42 =	vadd.s32 s18, v3;
	[tilespmem:v24+s26+$0x0] =	vst.idx.msk $0xffff, v23  }
0x9f: {  	v56 =	vadd.s32 s20, v3;
	v23 =	vor.u32 $0x4, v20;
	v24 =	vld.idx.msk [tilespmem:v52+s15+$0x0], $0xffff;
	[tilespmem:v54+s26+$0x0] =	vst.idx.msk $0xffff, v53  }
0xa0: {  	v57 =	vor.u32 $0x4, v21;
	v58 =	vadd.s32 s22, v3;
	v40 =	vld.idx.msk [tilespmem:v55+s15+$0x0], $0xffff  }
0xa1: {  	v43 =	vor.u32 $0x4, v22;
	_ =	sdelay $0x1  }
0xa2: {  	[tilespmem:v42+s26+$0x0] =	vst.idx.msk $0xffff, v38  }
0xa3: {  	v59 =	vadd.s32 s18, v4;
	v23 =	vld.idx.msk [tilespmem:v23+s15+$0x0], $0xffff;
	[tilespmem:v56+s26+$0x0] =	vst.idx.msk $0xffff, v24  }
0xa4: {  	v60 =	vadd.s32 s20, v4;
	v24 =	vor.u32 $0x5, v20;
	v32 =	vld.idx.msk [tilespmem:v57+s15+$0x0], $0xffff;
	[tilespmem:v58+s26+$0x0] =	vst.idx.msk $0xffff, v40  }
0xa5: {  	v61 =	vor.u32 $0x5, v21;
	v62 =	vadd.s32 s22, v4;
	v41 =	vld.idx.msk [tilespmem:v43+s15+$0x0], $0xffff  }
0xa6: {  	v63 =	vor.u32 $0x5, v22;
	_ =	sdelay $0x1  }
0xa7: {  	[tilespmem:v59+s26+$0x0] =	vst.idx.msk $0xffff, v23  }
0xa8: {  	v23 =	vld.idx.msk [tilespmem:v24+s15+$0x0], $0xffff;
	v24 =	vadd.s32 s18, v5;
	[tilespmem:v60+s26+$0x0] =	vst.idx.msk $0xffff, v32  }
0xa9: {  	v45 =	vor.u32 $0x6, v20;
	v47 =	vadd.s32 s20, v5;
	v46 =	vld.idx.msk [tilespmem:v61+s15+$0x0], $0xffff;
	[tilespmem:v62+s26+$0x0] =	vst.idx.msk $0xffff, v41  }
0xaa: {  	v48 =	vor.u32 $0x6, v21;
	v49 =	vadd.s32 s22, v5;
	v41 =	vld.idx.msk [tilespmem:v63+s15+$0x0], $0xffff  }
0xab: {  	v50 =	vor.u32 $0x6, v22  }
0xac: {  	[tilespmem:v36+s26+$0x0] =	vst.idx.msk $0xffff, v35  }
0xad: {  	v35 =	vld.idx.msk [tilespmem:v37+s15+$0x0], $0xffff;
	[tilespmem:v24+s26+$0x0] =	vst.idx.msk $0xffff, v23;
	v23 =	vadd.s32 s0, v6  }
0xae: {  	v51 =	vadd.s32 s18, v6;
	v24 =	vor.u32 $0x7, v19;
	v32 =	vld.idx.msk [tilespmem:v45+s15+$0x0], $0xffff;
	[tilespmem:v47+s26+$0x0] =	vst.idx.msk $0xffff, v46  }
0xaf: {  	v52 =	vor.u32 $0x7, v20;
	v53 =	vadd.s32 s20, v6;
	v38 =	vld.idx.msk [tilespmem:v48+s15+$0x0], $0xffff;
	[tilespmem:v49+s26+$0x0] =	vst.idx.msk $0xffff, v41  }
0xb0: {  	[tilespmem:v34+s26+$0x0] =	vst.idx.msk $0xffff, v31;
	v31 =	vor.u32 $0x7, v21;
	v55 =	vadd.s32 s22, v6;
	v54 =	vld.idx.msk [tilespmem:v50+s15+$0x0], $0xffff  }
0xb1: {  	[tilespmem:v33+s26+$0x0] =	vst.idx.msk $0xffff, v29;
	v29 =	vor.u32 $0x7, v22  }
0xb2: {  	v56 =	vadd.s32 s21, v15;
	[tilespmem:v23+s26+$0x0] =	vst.idx.msk $0xffff, v35  }
0xb3: {  	v23 =	vld.idx.msk [tilespmem:v24+s15+$0x0], $0xffff;
	v24 =	vadd.s32 s0, v7;
	[tilespmem:v51+s26+$0x0] =	vst.idx.msk $0xffff, v32  }
0xb4: {  	v57 =	vor.u32 $0x8, v19;
	v59 =	vadd.s32 s18, v7;
	v58 =	vld.idx.msk [tilespmem:v52+s15+$0x0], $0xffff;
	[tilespmem:v53+s26+$0x0] =	vst.idx.msk $0xffff, v38  }
0xb5: {  	v60 =	vor.u32 $0x8, v20;
	v61 =	vadd.s32 s20, v7;
	v31 =	vld.idx.msk [tilespmem:v31+s15+$0x0], $0xffff;
	[tilespmem:v55+s26+$0x0] =	vst.idx.msk $0xffff, v54  }
0xb6: {  	[tilespmem:v30+s26+$0x0] =	vst.idx.msk $0xffff, v26;
	v26 =	vor.u32 $0x8, v21;
	v30 =	vadd.s32 s22, v7;
	v29 =	vld.idx.msk [tilespmem:v29+s15+$0x0], $0xffff  }
0xb7: {  	v28 =	vld.idx.msk [tilespmem:v28+s15+$0x0], $0xffff;
	[tilespmem:v56+s26+$0x0] =	vst.idx.msk $0xffff, v27;
	v27 =	vor.u32 $0x8, v22;
	v62 =	vadd.s32 s1, v8  }
0xb8: {  	v25 =	vld.idx.msk [tilespmem:v25+s15+$0x0], $0xffff;
	v42 =	vadd.s32 s17, v13;
	v63 =	vor.u32 $0xB, v16;
	[tilespmem:v24+s26+$0x0] =	vst.idx.msk $0xffff, v23  }
0xb9: {  	v43 =	vadd.s32 s0, v8;
	v23 =	vor.u32 $0x9, v17;
	v24 =	vld.idx.msk [tilespmem:v57+s15+$0x0], $0xffff;
	[tilespmem:v59+s26+$0x0] =	vst.idx.msk $0xffff, v58  }
0xba: {  	v44 =	vor.u32 $0x9, v19;
	v45 =	vadd.s32 s18, v8;
	v36 =	vld.idx.msk [tilespmem:v60+s15+$0x0], $0xffff;
	[tilespmem:v61+s26+$0x0] =	vst.idx.msk $0xffff, v31  }
0xbb: {  	v46 =	vadd.s32 s20, v8;
	v31 =	vor.u32 $0x9, v20;
	v26 =	vld.idx.msk [tilespmem:v26+s15+$0x0], $0xffff;
	[tilespmem:v30+s26+$0x0] =	vst.idx.msk $0xffff, v29  }
0xbc: {  	[tilespmem:v62+s26+$0x0] =	vst.idx.msk $0xffff, v28;
	v28 =	vor.u32 $0x9, v21;
	v29 =	vadd.s32 s22, v8;
	v27 =	vld.idx.msk [tilespmem:v27+s15+$0x0], $0xffff  }
0xbd: {  	[tilespmem:v42+s26+$0x0] =	vst.idx.msk $0xffff, v25;
	v25 =	vor.u32 $0x9, v22;
	v47 =	vadd.s32 s31, v11;
	v30 =	vld.idx.msk [tilespmem:v63+s15+$0x0], $0xffff  }
0xbe: {  	v48 =	vor.u32 $0xE, v18;
	v49 =	vadd.s32 s1, v9;
	v23 =	vld.idx.msk [tilespmem:v23+s15+$0x0], $0xffff;
	[tilespmem:v43+s26+$0x0] =	vst.idx.msk $0xffff, v24  }
0xbf: {  	v50 =	vadd.s32 s0, v9;
	v24 =	vor.u32 $0xA, v17;
	v32 =	vld.idx.msk [tilespmem:v44+s15+$0x0], $0xffff;
	[tilespmem:v45+s26+$0x0] =	vst.idx.msk $0xffff, v36  }
0xc0: {  	v51 =	vor.u32 $0xA, v19;
	v52 =	vadd.s32 s18, v9;
	v31 =	vld.idx.msk [tilespmem:v31+s15+$0x0], $0xffff;
	[tilespmem:v46+s26+$0x0] =	vst.idx.msk $0xffff, v26  }
0xc1: {  	v53 =	vadd.s32 s20, v9;
	v26 =	vor.u32 $0xA, v20;
	v28 =	vld.idx.msk [tilespmem:v28+s15+$0x0], $0xffff;
	[tilespmem:v29+s26+$0x0] =	vst.idx.msk $0xffff, v27  }
0xc2: {  	[tilespmem:v47+s26+$0x0] =	vst.idx.msk $0xffff, v30;
	v27 =	vor.u32 $0xA, v21;
	v29 =	vadd.s32 s22, v9;
	v25 =	vld.idx.msk [tilespmem:v25+s15+$0x0], $0xffff  }
0xc3: {  	v54 =	vadd.s32 s17, v14;
	v30 =	vld.idx.msk [tilespmem:v48+s15+$0x0], $0xffff;
	[tilespmem:v49+s26+$0x0] =	vst.idx.msk $0xffff, v23;
	v23 =	vor.u32 $0xA, v22  }
0xc4: {  	v56 =	vadd.s32 s1, v10;
	v55 =	vor.u32 $0xC, v16;
	v24 =	vld.idx.msk [tilespmem:v24+s15+$0x0], $0xffff;
	[tilespmem:v50+s26+$0x0] =	vst.idx.msk $0xffff, v32  }
0xc5: {  	v57 =	vor.u32 $0xB, v17;
	v58 =	vadd.s32 s0, v10;
	v35 =	vld.idx.msk [tilespmem:v51+s15+$0x0], $0xffff;
	[tilespmem:v52+s26+$0x0] =	vst.idx.msk $0xffff, v31  }
0xc6: {  	v59 =	vadd.s32 s18, v10;
	v31 =	vor.u32 $0xB, v19;
	v26 =	vld.idx.msk [tilespmem:v26+s15+$0x0], $0xffff;
	[tilespmem:v53+s26+$0x0] =	vst.idx.msk $0xffff, v28  }
0xc7: {  	v60 =	vadd.s32 s20, v10;
	v28 =	vor.u32 $0xB, v20;
	v27 =	vld.idx.msk [tilespmem:v27+s15+$0x0], $0xffff;
	[tilespmem:v29+s26+$0x0] =	vst.idx.msk $0xffff, v25  }
0xc8: {  	[tilespmem:v54+s26+$0x0] =	vst.idx.msk $0xffff, v30;
	v25 =	vor.u32 $0xB, v21;
	v29 =	vadd.s32 s22, v10;
	v23 =	vld.idx.msk [tilespmem:v23+s15+$0x0], $0xffff  }
0xc9: {  	v61 =	vadd.s32 s31, v12;
	v30 =	vld.idx.msk [tilespmem:v55+s15+$0x0], $0xffff;
	[tilespmem:v56+s26+$0x0] =	vst.idx.msk $0xffff, v24;
	v24 =	vor.u32 $0xB, v22  }
0xca: {  	v18 =	vor.u32 $0xF, v18;
	v62 =	vadd.s32 s1, v11;
	v32 =	vld.idx.msk [tilespmem:v57+s15+$0x0], $0xffff;
	[tilespmem:v58+s26+$0x0] =	vst.idx.msk $0xffff, v35  }
0xcb: {  	v40 =	vadd.s32 s0, v11;
	v63 =	vor.u32 $0xC, v17;
	v31 =	vld.idx.msk [tilespmem:v31+s15+$0x0], $0xffff;
	[tilespmem:v59+s26+$0x0] =	vst.idx.msk $0xffff, v26  }
0xcc: {  	v41 =	vadd.s32 s18, v11;
	v26 =	vor.u32 $0xC, v19;
	v28 =	vld.idx.msk [tilespmem:v28+s15+$0x0], $0xffff;
	[tilespmem:v60+s26+$0x0] =	vst.idx.msk $0xffff, v27  }
0xcd: {  	v42 =	vadd.s32 s20, v11;
	v27 =	vor.u32 $0xC, v20;
	v25 =	vld.idx.msk [tilespmem:v25+s15+$0x0], $0xffff;
	[tilespmem:v29+s26+$0x0] =	vst.idx.msk $0xffff, v23  }
0xce: {  	[tilespmem:v61+s26+$0x0] =	vst.idx.msk $0xffff, v30;
	v23 =	vor.u32 $0xC, v21;
	v29 =	vadd.s32 s22, v11;
	v24 =	vld.idx.msk [tilespmem:v24+s15+$0x0], $0xffff  }
0xcf: {  	v43 =	vor.u32 $0xC, v22;
	v18 =	vld.idx.msk [tilespmem:v18+s15+$0x0], $0xffff;
	v30 =	vadd.s32 s17, v15;
	[tilespmem:v62+s26+$0x0] =	vst.idx.msk $0xffff, v32  }
0xd0: {  	v44 =	vor.u32 $0xD, v16;
	v45 =	vadd.s32 s1, v12;
	v34 =	vld.idx.msk [tilespmem:v63+s15+$0x0], $0xffff;
	[tilespmem:v40+s26+$0x0] =	vst.idx.msk $0xffff, v31  }
0xd1: {  	v46 =	vadd.s32 s0, v12;
	v31 =	vor.u32 $0xD, v17;
	v26 =	vld.idx.msk [tilespmem:v26+s15+$0x0], $0xffff;
	[tilespmem:v41+s26+$0x0] =	vst.idx.msk $0xffff, v28  }
0xd2: {  	v47 =	vadd.s32 s18, v12;
	v28 =	vor.u32 $0xD, v19;
	v27 =	vld.idx.msk [tilespmem:v27+s15+$0x0], $0xffff;
	[tilespmem:v42+s26+$0x0] =	vst.idx.msk $0xffff, v25  }
0xd3: {  	v48 =	vadd.s32 s20, v12;
	v25 =	vor.u32 $0xD, v20;
	v23 =	vld.idx.msk [tilespmem:v23+s15+$0x0], $0xffff;
	[tilespmem:v29+s26+$0x0] =	vst.idx.msk $0xffff, v24  }
0xd4: {  	[tilespmem:v30+s26+$0x0] =	vst.idx.msk $0xffff, v18;
	v18 =	vor.u32 $0xD, v21;
	v29 =	vadd.s32 s22, v12;
	v24 =	vld.idx.msk [tilespmem:v43+s15+$0x0], $0xffff  }
0xd5: {  	v49 =	vadd.s32 s31, v13;
	v50 =	vor.u32 $0xD, v22;
	v30 =	vld.idx.msk [tilespmem:v44+s15+$0x0], $0xffff;
	[tilespmem:v45+s26+$0x0] =	vst.idx.msk $0xffff, v34  }
0xd6: {  	v51 =	vor.u32 $0xE, v16;
	v52 =	vadd.s32 s1, v13;
	v31 =	vld.idx.msk [tilespmem:v31+s15+$0x0], $0xffff;
	[tilespmem:v46+s26+$0x0] =	vst.idx.msk $0xffff, v26  }
0xd7: {  	v53 =	vadd.s32 s0, v13;
	v26 =	vor.u32 $0xE, v17;
	v28 =	vld.idx.msk [tilespmem:v28+s15+$0x0], $0xffff;
	[tilespmem:v47+s26+$0x0] =	vst.idx.msk $0xffff, v27  }
0xd8: {  	v54 =	vadd.s32 s18, v13;
	v27 =	vor.u32 $0xE, v19;
	v25 =	vld.idx.msk [tilespmem:v25+s15+$0x0], $0xffff;
	[tilespmem:v48+s26+$0x0] =	vst.idx.msk $0xffff, v23  }
0xd9: {  	v55 =	vadd.s32 s20, v13;
	v23 =	vor.u32 $0xE, v20;
	v18 =	vld.idx.msk [tilespmem:v18+s15+$0x0], $0xffff;
	[tilespmem:v29+s26+$0x0] =	vst.idx.msk $0xffff, v24  }
0xda: {  	[tilespmem:v49+s26+$0x0] =	vst.idx.msk $0xffff, v30;
	v30 =	vadd.s32 s22, v13;
	v24 =	vor.u32 $0xE, v21;
	v29 =	vld.idx.msk [tilespmem:v50+s15+$0x0], $0xffff  }
0xdb: {  	v56 =	vadd.s32 s31, v14;
	v32 =	vld.idx.msk [tilespmem:v51+s15+$0x0], $0xffff;
	[tilespmem:v52+s26+$0x0] =	vst.idx.msk $0xffff, v31;
	v31 =	vor.u32 $0xE, v22  }
0xdc: {  	v16 =	vor.u32 $0xF, v16;
	v57 =	vadd.s32 s1, v14;
	v26 =	vld.idx.msk [tilespmem:v26+s15+$0x0], $0xffff;
	[tilespmem:v53+s26+$0x0] =	vst.idx.msk $0xffff, v28  }
0xdd: {  	v17 =	vor.u32 $0xF, v17;
	v28 =	vadd.s32 s0, v14;
	v27 =	vld.idx.msk [tilespmem:v27+s15+$0x0], $0xffff;
	[tilespmem:v54+s26+$0x0] =	vst.idx.msk $0xffff, v25  }
0xde: {  	v19 =	vor.u32 $0xF, v19;
	v25 =	vadd.s32 s18, v14;
	v23 =	vld.idx.msk [tilespmem:v23+s15+$0x0], $0xffff;
	[tilespmem:v55+s26+$0x0] =	vst.idx.msk $0xffff, v18  }
0xdf: {  	v18 =	vor.u32 $0xF, v20;
	v20 =	vld.idx.msk [tilespmem:v24+s15+$0x0], $0xffff;
	v24 =	vadd.s32 s20, v14;
	[tilespmem:v30+s26+$0x0] =	vst.idx.msk $0xffff, v29  }
0xe0: {  	v21 =	vor.u32 $0xF, v21;
	[tilespmem:v56+s26+$0x0] =	vst.idx.msk $0xffff, v32;
	v30 =	vadd.s32 s22, v14;
	v29 =	vld.idx.msk [tilespmem:v31+s15+$0x0], $0xffff  }
0xe1: {  	v22 =	vor.u32 $0xF, v22;
	v16 =	vld.idx.msk [tilespmem:v16+s15+$0x0], $0xffff;
	[tilespmem:v57+s26+$0x0] =	vst.idx.msk $0xffff, v26;
	v31 =	vadd.s32 s31, v15  }
0xe2: {  	v26 =	vadd.s32 s1, v15;
	v17 =	vld.idx.msk [tilespmem:v17+s15+$0x0], $0xffff;
	[tilespmem:v28+s26+$0x0] =	vst.idx.msk $0xffff, v27  }
0xe3: {  	v27 =	vadd.s32 s0, v15;
	v19 =	vld.idx.msk [tilespmem:v19+s15+$0x0], $0xffff;
	[tilespmem:v25+s26+$0x0] =	vst.idx.msk $0xffff, v23  }
0xe4: {  	v23 =	vadd.s32 s18, v15;
	v18 =	vld.idx.msk [tilespmem:v18+s15+$0x0], $0xffff;
	[tilespmem:v24+s26+$0x0] =	vst.idx.msk $0xffff, v20  }
0xe5: {  	v20 =	vld.idx.msk [tilespmem:v21+s15+$0x0], $0xffff;
	v21 =	vadd.s32 s20, v15;
	[tilespmem:v30+s26+$0x0] =	vst.idx.msk $0xffff, v29  }
0xe6: {  	[tilespmem:v31+s26+$0x0] =	vst.idx.msk $0xffff, v16;
	v16 =	vld.idx.msk [tilespmem:v22+s15+$0x0], $0xffff;
	v22 =	vadd.s32 s22, v15  }
0xe7: {  	[tilespmem:v26+s26+$0x0] =	vst.idx.msk $0xffff, v17  }
0xe8: {  	[tilespmem:v27+s26+$0x0] =	vst.idx.msk $0xffff, v19  }
0xe9: {  	[tilespmem:v23+s26+$0x0] =	vst.idx.msk $0xffff, v18  }
0xea: {  	[tilespmem:v21+s26+$0x0] =	vst.idx.msk $0xffff, v20  }
0xeb: {  	[tilespmem:v22+s26+$0x0] =	vst.idx.msk $0xffff, v16  }
0xec: {  	_ =	swait.ge [sflag:s24], $0x620  }
0xed: {  	[sflag:s24] =	ssyncset.done $0x0  }
0xee: {  	[sflag:s24] =	ssyncadd.s32 $0xFFFFF9E0  }
0xef: {  	_ =	swait.ge [sflag:s24], $0x620  }
0xf0: {  	[sflag:s24] =	ssyncset.done $0x0  }
0xf1: {  	[sflag:s24] =	ssyncadd.s32 $0xFFFFF9E0  }
0xf2: {  	_ =	swait.ge [sflag:s24], $0x3D40  }
0xf3: {  	s21 =	simm.s32 $0x0;
	[sflag:s24] =	ssyncset.done $0x0  }
0xf4: {  	v16 =	vor.u32 s21, v0;
	[sflag:s24] =	ssyncadd.s32 $0xFFFFC2C0  }
0xf5: {  	[hbm4b:s12+s16] =	stream.strided.scatter [tilespmem:s26], [sflag:$0x3], $0xAB80, s19, s16, $0x38;
	[tilespmem:$0x163E0] =	vst v63  }
0xf6: {  	_ =	swait.ge [sflag:s25], $0x620  }
0xf7: {  	[sflag:s25] =	ssyncset.done $0x0  }
0xf8: {  	[sflag:s25] =	ssyncadd.s32 $0xFFFFF9E0  }
0xf9: {  	v17 =	vld.idx.msk [tilespmem:v16+s16+$0x0], $0xffff;
	_ =	sdelay $0x4  }
0xfa: {  	v22 =	vshll.u32 v17, $0x4;
	_ =	sdelay $0x3  }
0xfb: {  	s17 =	simm.s32 $0x10  }
0xfc: {  	v17 =	vor.u32 s17, v0;
	v18 =	vld.idx.msk [tilespmem:v22+s15+$0x0], $0xffff  }
0xfd: {  	v19 =	vor.u32 $0x1, v22;
	_ =	sdelay $0x3  }
0xfe: {  	v20 =	vld.idx.msk [tilespmem:v17+s16+$0x0], $0xffff;
	[tilespmem:v16+s28+$0x0] =	vst.idx.msk $0xffff, v18  }
0xff: {  	v16 =	vld.idx.msk [tilespmem:v19+s15+$0x0], $0xffff;
	v19 =	vadd.s32 s21, v1  }
0x100: {  	v21 =	vor.u32 $0x2, v22;
	_ =	sdelay $0x2  }
0x101: {  	v18 =	vshll.u32 v20, $0x4  }
0x102: {  	[tilespmem:v19+s28+$0x0] =	vst.idx.msk $0xffff, v16  }
0x103: {  	v19 =	vadd.s32 s21, v2;
	v16 =	vld.idx.msk [tilespmem:v21+s15+$0x0], $0xffff  }
0x104: {  	s31 =	simm.s32 $0x20;
	v20 =	vor.u32 $0x3, v22  }
0x105: {  	v21 =	vor.u32 s31, v0  }
0x106: {  	v23 =	vld.idx.msk [tilespmem:v18+s15+$0x0], $0xffff  }
0x107: {  	v24 =	vor.u32 $0x1, v18  }
0x108: {  	[tilespmem:v19+s28+$0x0] =	vst.idx.msk $0xffff, v16  }
0x109: {  	v19 =	vadd.s32 s21, v3;
	v16 =	vld.idx.msk [tilespmem:v20+s15+$0x0], $0xffff  }
0x10a: {  	v25 =	vor.u32 $0x4, v22;
	v20 =	vld.idx.msk [tilespmem:v21+s16+$0x0], $0xffff  }
0x10b: {  	[tilespmem:v17+s28+$0x0] =	vst.idx.msk $0xffff, v23  }
0x10c: {  	v23 =	vadd.s32 s17, v1;
	v17 =	vld.idx.msk [tilespmem:v24+s15+$0x0], $0xffff  }
0x10d: {  	v24 =	vor.u32 $0x2, v18  }
0x10e: {  	[tilespmem:v19+s28+$0x0] =	vst.idx.msk $0xffff, v16  }
0x10f: {  	v16 =	vshll.u32 v20, $0x4;
	v20 =	vadd.s32 s21, v4;
	v19 =	vld.idx.msk [tilespmem:v25+s15+$0x0], $0xffff  }
0x110: {  	v25 =	vor.u32 $0x5, v22  }
0x111: {  	[tilespmem:v23+s28+$0x0] =	vst.idx.msk $0xffff, v17  }
0x112: {  	v23 =	vadd.s32 s17, v2;
	v17 =	vld.idx.msk [tilespmem:v24+s15+$0x0], $0xffff  }
0x113: {  	s1 =	simm.s32 $0x30;
	v24 =	vor.u32 $0x3, v18  }
0x114: {  	v26 =	vor.u32 s1, v0;
	v27 =	vld.idx.msk [tilespmem:v16+s15+$0x0], $0xffff;
	[tilespmem:v20+s28+$0x0] =	vst.idx.msk $0xffff, v19  }
0x115: {  	v20 =	vor.u32 $0x1, v16;
	v19 =	vld.idx.msk [tilespmem:v25+s15+$0x0], $0xffff;
	v25 =	vadd.s32 s21, v5  }
0x116: {  	v28 =	vor.u32 $0x6, v22  }
0x117: {  	[tilespmem:v23+s28+$0x0] =	vst.idx.msk $0xffff, v17  }
0x118: {  	v23 =	vadd.s32 s17, v3;
	v17 =	vld.idx.msk [tilespmem:v24+s15+$0x0], $0xffff  }
0x119: {  	v24 =	vld.idx.msk [tilespmem:v26+s16+$0x0], $0xffff;
	[tilespmem:v21+s28+$0x0] =	vst.idx.msk $0xffff, v27;
	v21 =	vor.u32 $0x4, v18  }
0x11a: {  	v20 =	vld.idx.msk [tilespmem:v20+s15+$0x0], $0xffff;
	[tilespmem:v25+s28+$0x0] =	vst.idx.msk $0xffff, v19;
	v19 =	vadd.s32 s31, v1  }
0x11b: {  	v27 =	vor.u32 $0x2, v16;
	v25 =	vld.idx.msk [tilespmem:v28+s15+$0x0], $0xffff;
	v28 =	vadd.s32 s21, v6  }
0x11c: {  	v29 =	vor.u32 $0x7, v22  }
0x11d: {  	[tilespmem:v23+s28+$0x0] =	vst.idx.msk $0xffff, v17  }
0x11e: {  	v17 =	vshll.u32 v24, $0x4;
	v23 =	vadd.s32 s17, v4;
	v21 =	vld.idx.msk [tilespmem:v21+s15+$0x0], $0xffff  }
0x11f: {  	s0 =	simm.s32 $0x40;
	[tilespmem:v19+s28+$0x0] =	vst.idx.msk $0xffff, v20;
	v19 =	vor.u32 $0x5, v18  }
0x120: {  	v20 =	vor.u32 s0, v0;
	v24 =	vld.idx.msk [tilespmem:v27+s15+$0x0], $0xffff;
	[tilespmem:v28+s28+$0x0] =	vst.idx.msk $0xffff, v25;
	v25 =	vadd.s32 s31, v2  }
0x121: {  	v28 =	vor.u32 $0x3, v16;
	v27 =	vld.idx.msk [tilespmem:v29+s15+$0x0], $0xffff;
	v29 =	vadd.s32 s21, v7  }
0x122: {  	v30 =	vor.u32 $0x8, v22  }
0x123: {  	v31 =	vld.idx.msk [tilespmem:v17+s15+$0x0], $0xffff;
	[tilespmem:v23+s28+$0x0] =	vst.idx.msk $0xffff, v21  }
0x124: {  	v21 =	vor.u32 $0x1, v17;
	v23 =	vadd.s32 s17, v5;
	v19 =	vld.idx.msk [tilespmem:v19+s15+$0x0], $0xffff  }
0x125: {  	v58 =	vld.idx.msk [tilespmem:v20+s16+$0x0], $0xffff;
	[tilespmem:v25+s28+$0x0] =	vst.idx.msk $0xffff, v24;
	v24 =	vor.u32 $0x6, v18  }
0x126: {  	v25 =	vld.idx.msk [tilespmem:v28+s15+$0x0], $0xffff;
	[tilespmem:v29+s28+$0x0] =	vst.idx.msk $0xffff, v27;
	v27 =	vadd.s32 s31, v3  }
0x127: {  	v29 =	vor.u32 $0x4, v16;
	v28 =	vld.idx.msk [tilespmem:v30+s15+$0x0], $0xffff;
	v30 =	vadd.s32 s21, v8  }
0x128: {  	[tilespmem:v26+s28+$0x0] =	vst.idx.msk $0xffff, v31;
	v26 =	vor.u32 $0x9, v22  }
0x129: {  	v21 =	vld.idx.msk [tilespmem:v21+s15+$0x0], $0xffff;
	[tilespmem:v23+s28+$0x0] =	vst.idx.msk $0xffff, v19;
	v23 =	vadd.s32 s1, v1  }
0x12a: {  	v59 =	vadd.s32 s17, v6;
	v31 =	vor.u32 $0x2, v17;
	v24 =	vld.idx.msk [tilespmem:v24+s15+$0x0], $0xffff  }
0x12b: {  	[tilespmem:v27+s28+$0x0] =	vst.idx.msk $0xffff, v25;
	v25 =	vor.u32 $0x7, v18  }
0x12c: {  	v19 =	vshll.u32 v58, $0x4;
	v27 =	vld.idx.msk [tilespmem:v29+s15+$0x0], $0xffff;
	[tilespmem:v30+s28+$0x0] =	vst.idx.msk $0xffff, v28;
	v28 =	vadd.s32 s31, v4  }
0x12d: {  	v29 =	vor.u32 $0x5, v16;
	v30 =	vadd.s32 s21, v9;
	v26 =	vld.idx.msk [tilespmem:v26+s15+$0x0], $0xffff  }
0x12e: {  	s18 =	simm.s32 $0x50;
	[tilespmem:v23+s28+$0x0] =	vst.idx.msk $0xffff, v21;
	v21 =	vor.u32 $0xA, v22  }
0x12f: {  	v60 =	vor.u32 s18, v0;
	v23 =	vld.idx.msk [tilespmem:v31+s15+$0x0], $0xffff;
	[tilespmem:v59+s28+$0x0] =	vst.idx.msk $0xffff, v24;
	v24 =	vadd.s32 s1, v2  }
0x130: {  	v61 =	vadd.s32 s17, v7;
	v31 =	vor.u32 $0x3, v17;
	v25 =	vld.idx.msk [tilespmem:v25+s15+$0x0], $0xffff  }
0x131: {  	v62 =	vld.idx.msk [tilespmem:v19+s15+$0x0], $0xffff;
	[tilespmem:v28+s28+$0x0] =	vst.idx.msk $0xffff, v27;
	v27 =	vor.u32 $0x8, v18  }
0x132: {  	v28 =	vld.idx.msk [tilespmem:v29+s15+$0x0], $0xffff;
	[tilespmem:v30+s28+$0x0] =	vst.idx.msk $0xffff, v26;
	v26 =	vor.u32 $0x1, v19;
	v29 =	vadd.s32 s31, v5  }
0x133: {  	v63 =	vadd.s32 s21, v10;
	v30 =	vor.u32 $0x6, v16;
	v21 =	vld.idx.msk [tilespmem:v21+s15+$0x0], $0xffff  }
0x134: {  	s20 =	simm.s32 $0x60;
	v40 =	vld.idx.msk [tilespmem:v60+s16+$0x0], $0xffff;
	[tilespmem:v24+s28+$0x0] =	vst.idx.msk $0xffff, v23;
	v24 =	vor.u32 $0xB, v22  }
0x135: {  	v23 =	vor.u32 s20, v0;
	v31 =	vld.idx.msk [tilespmem:v31+s15+$0x0], $0xffff;
	[tilespmem:v61+s28+$0x0] =	vst.idx.msk $0xffff, v25;
	v25 =	vadd.s32 s1, v3  }
0x136: {  	v41 =	vadd.s32 s17, v8;
	[tilespmem:v20+s28+$0x0] =	vst.idx.msk $0xffff, v62;
	v20 =	vor.u32 $0x4, v17;
	v27 =	vld.idx.msk [tilespmem:v27+s15+$0x0], $0xffff  }
0x137: {  	v26 =	vld.idx.msk [tilespmem:v26+s15+$0x0], $0xffff;
	[tilespmem:v29+s28+$0x0] =	vst.idx.msk $0xffff, v28;
	v28 =	vor.u32 $0x9, v18;
	v29 =	vadd.s32 s0, v1  }
0x138: {  	v42 =	vadd.s32 s31, v6;
	v30 =	vld.idx.msk [tilespmem:v30+s15+$0x0], $0xffff;
	[tilespmem:v63+s28+$0x0] =	vst.idx.msk $0xffff, v21;
	v21 =	vor.u32 $0x2, v19  }
0x139: {  	v44 =	vadd.s32 s21, v11;
	v43 =	vor.u32 $0x7, v16;
	v24 =	vld.idx.msk [tilespmem:v24+s15+$0x0], $0xffff  }
0x13a: {  	v45 =	vld.idx.msk [tilespmem:v23+s16+$0x0], $0xffff;
	[tilespmem:v25+s28+$0x0] =	vst.idx.msk $0xffff, v31;
	v25 =	vor.u32 $0xC, v22  }
0x13b: {  	v31 =	vld.idx.msk [tilespmem:v20+s15+$0x0], $0xffff;
	[tilespmem:v41+s28+$0x0] =	vst.idx.msk $0xffff, v27;
	v20 =	vshll.u32 v40, $0x4;
	v27 =	vadd.s32 s1, v4  }
0x13c: {  	v28 =	vld.idx.msk [tilespmem:v28+s15+$0x0], $0xffff;
	[tilespmem:v29+s28+$0x0] =	vst.idx.msk $0xffff, v26;
	v26 =	vor.u32 $0x5, v17;
	v29 =	vadd.s32 s17, v9  }
0x13d: {  	v46 =	vadd.s32 s0, v2;
	v21 =	vld.idx.msk [tilespmem:v21+s15+$0x0], $0xffff;
	[tilespmem:v42+s28+$0x0] =	vst.idx.msk $0xffff, v30;
	v30 =	vor.u32 $0xA, v18  }
0x13e: {  	v47 =	vadd.s32 s31, v7;
	v34 =	vld.idx.msk [tilespmem:v43+s15+$0x0], $0xffff;
	[tilespmem:v44+s28+$0x0] =	vst.idx.msk $0xffff, v24;
	v24 =	vor.u32 $0x3, v19  }
0x13f: {  	v49 =	vadd.s32 s21, v12;
	v48 =	vor.u32 $0x8, v16;
	v25 =	vld.idx.msk [tilespmem:v25+s15+$0x0], $0xffff  }
0x140: {  	v50 =	vld.idx.msk [tilespmem:v20+s15+$0x0], $0xffff;
	[tilespmem:v27+s28+$0x0] =	vst.idx.msk $0xffff, v31;
	v27 =	vor.u32 $0xD, v22  }
0x141: {  	v26 =	vld.idx.msk [tilespmem:v26+s15+$0x0], $0xffff;
	[tilespmem:v29+s28+$0x0] =	vst.idx.msk $0xffff, v28;
	v28 =	vor.u32 $0x1, v20;
	v29 =	vadd.s32 s1, v5  }
0x142: {  	v31 =	vadd.s32 s17, v10;
	v30 =	vld.idx.msk [tilespmem:v30+s15+$0x0], $0xffff;
	[tilespmem:v46+s28+$0x0] =	vst.idx.msk $0xffff, v21;
	v21 =	vor.u32 $0x6, v17  }
0x143: {  	s23 =	simm.s32 $0x70;
	v51 =	vor.u32 $0xB, v18;
	v33 =	vld.idx.msk [tilespmem:v24+s15+$0x0], $0xffff;
	[tilespmem:v47+s28+$0x0] =	vst.idx.msk $0xffff, v34  }
0x144: {  	v52 =	vadd.s32 s0, v3;
	v24 =	vor.u32 s23, v0;
	v36 =	vld.idx.msk [tilespmem:v48+s15+$0x0], $0xffff;
	[tilespmem:v49+s28+$0x0] =	vst.idx.msk $0xffff, v25  }
0x145: {  	v53 =	vadd.s32 s31, v8;
	v25 =	vor.u32 $0x4, v19;
	[tilespmem:v60+s28+$0x0] =	vst.idx.msk $0xffff, v50;
	v27 =	vld.idx.msk [tilespmem:v27+s15+$0x0], $0xffff  }
0x146: {  	v28 =	vld.idx.msk [tilespmem:v28+s15+$0x0], $0xffff;
	[tilespmem:v29+s28+$0x0] =	vst.idx.msk $0xffff, v26;
	v26 =	vor.u32 $0x9, v16;
	v29 =	vadd.s32 s21, v13  }
0x147: {  	v54 =	vadd.s32 s18, v1;
	v55 =	vld.idx.msk [tilespmem:v21+s15+$0x0], $0xffff;
	[tilespmem:v31+s28+$0x0] =	vst.idx.msk $0xffff, v30;
	v30 =	vor.u32 $0xE, v22  }
0x148: {  	v31 =	vor.u32 $0x2, v20;
	v34 =	vld.idx.msk [tilespmem:v51+s15+$0x0], $0xffff  }
0x149: {  	v56 =	vadd.s32 s1, v6;
	v21 =	vshll.u32 v45, $0x4;
	v32 =	vld.idx.msk [tilespmem:v24+s16+$0x0], $0xffff;
	[tilespmem:v52+s28+$0x0] =	vst.idx.msk $0xffff, v33  }
0x14a: {  	v57 =	vor.u32 $0x7, v17;
	v58 =	vadd.s32 s17, v11;
	v25 =	vld.idx.msk [tilespmem:v25+s15+$0x0], $0xffff;
	[tilespmem:v53+s28+$0x0] =	vst.idx.msk $0xffff, v36  }
0x14b: {  	v59 =	vor.u32 $0xC, v18;
	v60 =	vadd.s32 s0, v4;
	v26 =	vld.idx.msk [tilespmem:v26+s15+$0x0], $0xffff;
	[tilespmem:v29+s28+$0x0] =	vst.idx.msk $0xffff, v27  }
0x14c: {  	v61 =	vadd.s32 s31, v9;
	[tilespmem:v54+s28+$0x0] =	vst.idx.msk $0xffff, v28;
	v27 =	vor.u32 $0x5, v19;
	v30 =	vld.idx.msk [tilespmem:v30+s15+$0x0], $0xffff  }
0x14d: {  	v63 =	vor.u32 $0xA, v16;
	v44 =	vadd.s32 s21, v14;
	v62 =	vld.idx.msk [tilespmem:v31+s15+$0x0], $0xffff  }
0x14e: {  	v45 =	vadd.s32 s18, v2;
	v22 =	vor.u32 $0xF, v22;
	[tilespmem:v56+s28+$0x0] =	vst.idx.msk $0xffff, v55;
	v39 =	vld.idx.msk [tilespmem:v21+s15+$0x0], $0xffff  }
0x14f: {  	v38 =	vor.u32 $0x3, v20;
	v31 =	vld.idx.msk [tilespmem:v57+s15+$0x0], $0xffff;
	[tilespmem:v58+s28+$0x0] =	vst.idx.msk $0xffff, v34;
	v34 =	vadd.s32 s1, v7  }
0x150: {  	v33 =	vadd.s32 s17, v12;
	v28 =	vor.u32 $0x8, v17;
	v29 =	vld.idx.msk [tilespmem:v59+s15+$0x0], $0xffff;
	[tilespmem:v60+s28+$0x0] =	vst.idx.msk $0xffff, v25  }
0x151: {  	v25 =	vor.u32 $0xD, v18;
	v35 =	vld.idx.msk [tilespmem:v27+s15+$0x0], $0xffff;
	[tilespmem:v61+s28+$0x0] =	vst.idx.msk $0xffff, v26  }
0x152: {  	v37 =	vadd.s32 s0, v5;
	v40 =	vor.u32 $0x1, v21;
	v26 =	vld.idx.msk [tilespmem:v63+s15+$0x0], $0xffff;
	[tilespmem:v44+s28+$0x0] =	vst.idx.msk $0xffff, v30  }
0x153: {  	s22 =	simm.s32 $0x70;
	v36 =	vor.u32 $0x6, v19;
	[tilespmem:v45+s28+$0x0] =	vst.idx.msk $0xffff, v62;
	v30 =	vadd.s32 s31, v10;
	v27 =	vld.idx.msk [tilespmem:v22+s15+$0x0], $0xffff  }
.LBB2_4:
0x154: {  	s23 =	sadd.s32 $0x10, s23;
	v22 =	vld.idx.msk [tilespmem:v38+s15+$0x0], $0xffff;
	[tilespmem:v34+s28+$0x0] =	vst.idx.msk $0xffff, v31;
	v31 =	vor.u32 $0xB, v16;
	v34 =	vadd.s32 s21, v15;
	s21 =	smov.u32 s17;
	s17 =	smov.u32 s31  }
0x155: {  	v41 =	vadd.s32 s18, v3;
	s31 =	smov.u32 s1;
	s1 =	smov.u32 s0;
	v38 =	vor.u32 s23, v0;
	p0 =	slt.u32 s23, $0x610;
	v28 =	vld.idx.msk [tilespmem:v28+s15+$0x0], $0xffff;
	[tilespmem:v33+s28+$0x0] =	vst.idx.msk $0xffff, v29  }
0x156: {  	s0 =	smov.u32 s18;
	s18 =	smov.u32 s20;
	s20 =	smov.u32 s22;
	v29 =	vor.u32 $0x4, v20;
	v33 =	vadd.s32 s31, v8;
	[tilespmem:v23+s28+$0x0] =	vst.idx.msk $0xffff, v39;
	v25 =	vld.idx.msk [tilespmem:v25+s15+$0x0], $0xffff;
	v23 =	vmovc v24;
	v24 =	vmov v38  }
0x157: {  	s22 =	smov.u32 s23;
	v39 =	vld.idx.msk [tilespmem:v40+s15+$0x0], $0xffff;
	[tilespmem:v37+s28+$0x0] =	vst.idx.msk $0xffff, v35;
	v35 =	vor.u32 $0x9, v17;
	v37 =	vadd.s32 s21, v13  }
0x158: {  	v40 =	vadd.s32 s18, v1;
	v36 =	vld.idx.msk [tilespmem:v36+s15+$0x0], $0xffff;
	[tilespmem:v30+s28+$0x0] =	vst.idx.msk $0xffff, v26;
	v26 =	vor.u32 $0xE, v18  }
0x159: {  	v42 =	vadd.s32 s1, v6;
	v30 =	vor.u32 $0x2, v21;
	v43 =	vld.idx.msk [tilespmem:v31+s15+$0x0], $0xffff;
	[tilespmem:v34+s28+$0x0] =	vst.idx.msk $0xffff, v27  }
0x15a: {  	v34 =	vadd.s32 s17, v11;
	v27 =	vld.idx.msk [tilespmem:v38+s16+$0x0], $0xffff;
	[tilespmem:v41+s28+$0x0] =	vst.idx.msk $0xffff, v22;
	v22 =	vor.u32 $0x7, v19  }
0x15b: {  	v41 =	vld.idx.msk [tilespmem:v29+s15+$0x0], $0xffff;
	[tilespmem:v33+s28+$0x0] =	vst.idx.msk $0xffff, v28;
	v28 =	vor.u32 $0xC, v16  }
0x15c: {  	v44 =	vshll.u32 v32, $0x4;
	v33 =	vadd.s32 s0, v4;
	v45 =	vld.idx.msk [tilespmem:v35+s15+$0x0], $0xffff;
	[tilespmem:v37+s28+$0x0] =	vst.idx.msk $0xffff, v25  }
0x15d: {  	v25 =	vor.u32 $0x5, v20;
	v37 =	vadd.s32 s31, v9;
	[tilespmem:v40+s28+$0x0] =	vst.idx.msk $0xffff, v39;
	v46 =	vld.idx.msk [tilespmem:v26+s15+$0x0], $0xffff  }
0x15e: {  	v26 =	vor.u32 $0xA, v17;
	v30 =	vld.idx.msk [tilespmem:v30+s15+$0x0], $0xffff;
	[tilespmem:v42+s28+$0x0] =	vst.idx.msk $0xffff, v36;
	v36 =	vadd.s32 s21, v14  }
0x15f: {  	v42 =	vadd.s32 s18, v2;
	v31 =	vld.idx.msk [tilespmem:v22+s15+$0x0], $0xffff;
	[tilespmem:v34+s28+$0x0] =	vst.idx.msk $0xffff, v43;
	v22 =	vor.u32 $0xF, v18;
	v18 =	vmovc v16;
	v16 =	vmov v17  }
.Ltmp1:
0x160: {  	v38 =	vor.u32 $0x3, v21;
	v34 =	vadd.s32 s1, v7;
	v32 =	vmovc v27;
	v17 =	vmovc v19;
	v19 =	vmov v20;
	v29 =	vld.idx.msk [tilespmem:v28+s15+$0x0], $0xffff;
	(pc) =	sbr.rel @p0 .LBB2_4-.Ltmp1, $4  }
0x161: {  	v20 =	vmovc v21;
	v21 =	vmov v44;
	v28 =	vor.u32 $0x8, v17;
	v39 =	vld.idx.msk [tilespmem:v44+s15+$0x0], $0xffff;
	[tilespmem:v33+s28+$0x0] =	vst.idx.msk $0xffff, v41;
	v33 =	vadd.s32 s17, v12  }
0x162: {  	v35 =	vld.idx.msk [tilespmem:v25+s15+$0x0], $0xffff;
	[tilespmem:v37+s28+$0x0] =	vst.idx.msk $0xffff, v45;
	v25 =	vor.u32 $0xD, v18  }
0x163: {  	v40 =	vor.u32 $0x1, v21;
	v37 =	vadd.s32 s0, v5;
	v26 =	vld.idx.msk [tilespmem:v26+s15+$0x0], $0xffff;
	[tilespmem:v36+s28+$0x0] =	vst.idx.msk $0xffff, v46  }
0x164: {  	v36 =	vor.u32 $0x6, v19;
	[tilespmem:v42+s28+$0x0] =	vst.idx.msk $0xffff, v30;
	v30 =	vadd.s32 s31, v10;
	v27 =	vld.idx.msk [tilespmem:v22+s15+$0x0], $0xffff  }
0x165: {  	v22 =	vshll.u32 v32, $0x4;
	_ =	sdelay $0x4  }
0x166: {  	v32 =	vld.idx.msk [tilespmem:v22+s15+$0x0], $0xffff  }
0x167: {  	v41 =	vor.u32 $0x1, v22;
	_ =	sdelay $0x2  }
0x168: {  	[tilespmem:v23+s28+$0x0] =	vst.idx.msk $0xffff, v39  }
0x169: {  	v57 =	vadd.s32 s20, v1;
	v23 =	vld.idx.msk [tilespmem:v40+s15+$0x0], $0xffff;
	[tilespmem:v24+s28+$0x0] =	vst.idx.msk $0xffff, v32  }
0x16a: {  	v58 =	vor.u32 $0x2, v21;
	v59 =	vadd.s32 s22, v1;
	v32 =	vld.idx.msk [tilespmem:v41+s15+$0x0], $0xffff  }
0x16b: {  	v60 =	vor.u32 $0x2, v22;
	_ =	sdelay $0x2  }
0x16c: {  	[tilespmem:v57+s28+$0x0] =	vst.idx.msk $0xffff, v23  }
0x16d: {  	v61 =	vadd.s32 s20, v2;
	v23 =	vld.idx.msk [tilespmem:v58+s15+$0x0], $0xffff;
	[tilespmem:v59+s28+$0x0] =	vst.idx.msk $0xffff, v32  }
0x16e: {  	v62 =	vor.u32 $0x3, v21;
	v45 =	vadd.s32 s22, v2;
	v63 =	vld.idx.msk [tilespmem:v60+s15+$0x0], $0xffff  }
0x16f: {  	v46 =	vor.u32 $0x3, v22;
	_ =	sdelay $0x1  }
0x170: {  	v38 =	vld.idx.msk [tilespmem:v38+s15+$0x0], $0xffff;
	v42 =	vadd.s32 s18, v3  }
0x171: {  	v47 =	vor.u32 $0x4, v20;
	[tilespmem:v61+s28+$0x0] =	vst.idx.msk $0xffff, v23  }
0x172: {  	v48 =	vadd.s32 s20, v3;
	v24 =	vld.idx.msk [tilespmem:v62+s15+$0x0], $0xffff;
	[tilespmem:v45+s28+$0x0] =	vst.idx.msk $0xffff, v63  }
0x173: {  	v49 =	vor.u32 $0x4, v21;
	v50 =	vadd.s32 s22, v3;
	v40 =	vld.idx.msk [tilespmem:v46+s15+$0x0], $0xffff  }
0x174: {  	v43 =	vor.u32 $0x4, v22  }
0x175: {  	[tilespmem:v42+s28+$0x0] =	vst.idx.msk $0xffff, v38  }
0x176: {  	v51 =	vadd.s32 s18, v4;
	v23 =	vld.idx.msk [tilespmem:v47+s15+$0x0], $0xffff  }
0x177: {  	v52 =	vor.u32 $0x5, v20;
	[tilespmem:v48+s28+$0x0] =	vst.idx.msk $0xffff, v24  }
0x178: {  	v53 =	vadd.s32 s20, v4;
	v32 =	vld.idx.msk [tilespmem:v49+s15+$0x0], $0xffff;
	[tilespmem:v50+s28+$0x0] =	vst.idx.msk $0xffff, v40  }
0x179: {  	v54 =	vor.u32 $0x5, v21;
	v55 =	vadd.s32 s22, v4;
	v41 =	vld.idx.msk [tilespmem:v43+s15+$0x0], $0xffff  }
0x17a: {  	v56 =	vor.u32 $0x5, v22  }
0x17b: {  	[tilespmem:v51+s28+$0x0] =	vst.idx.msk $0xffff, v23  }
0x17c: {  	v57 =	vadd.s32 s18, v5;
	v23 =	vld.idx.msk [tilespmem:v52+s15+$0x0], $0xffff  }
0x17d: {  	v58 =	vor.u32 $0x6, v20;
	[tilespmem:v53+s28+$0x0] =	vst.idx.msk $0xffff, v32  }
0x17e: {  	v60 =	vadd.s32 s20, v5;
	v59 =	vld.idx.msk [tilespmem:v54+s15+$0x0], $0xffff;
	[tilespmem:v55+s28+$0x0] =	vst.idx.msk $0xffff, v41  }
0x17f: {  	[tilespmem:v37+s28+$0x0] =	vst.idx.msk $0xffff, v35;
	v61 =	vor.u32 $0x6, v21;
	v62 =	vadd.s32 s22, v5;
	v41 =	vld.idx.msk [tilespmem:v56+s15+$0x0], $0xffff  }
0x180: {  	v44 =	vld.idx.msk [tilespmem:v36+s15+$0x0], $0xffff;
	v63 =	vor.u32 $0x6, v22;
	v45 =	vadd.s32 s0, v6  }
0x181: {  	v46 =	vor.u32 $0x7, v19;
	[tilespmem:v57+s28+$0x0] =	vst.idx.msk $0xffff, v23  }
0x182: {  	v47 =	vadd.s32 s18, v6;
	v32 =	vld.idx.msk [tilespmem:v58+s15+$0x0], $0xffff  }
0x183: {  	v48 =	vor.u32 $0x7, v20;
	[tilespmem:v60+s28+$0x0] =	vst.idx.msk $0xffff, v59  }
0x184: {  	v49 =	vadd.s32 s20, v6;
	v38 =	vld.idx.msk [tilespmem:v61+s15+$0x0], $0xffff;
	[tilespmem:v62+s28+$0x0] =	vst.idx.msk $0xffff, v41  }
0x185: {  	v52 =	vadd.s32 s22, v6;
	[tilespmem:v45+s28+$0x0] =	vst.idx.msk $0xffff, v44;
	v50 =	vor.u32 $0x7, v21;
	v51 =	vld.idx.msk [tilespmem:v63+s15+$0x0], $0xffff  }
0x186: {  	[tilespmem:v34+s28+$0x0] =	vst.idx.msk $0xffff, v31;
	v53 =	vor.u32 $0x7, v22;
	v23 =	vld.idx.msk [tilespmem:v46+s15+$0x0], $0xffff;
	v55 =	vadd.s32 s0, v7  }
0x187: {  	[tilespmem:v47+s28+$0x0] =	vst.idx.msk $0xffff, v32;
	v56 =	vor.u32 $0x8, v19  }
0x188: {  	[tilespmem:v33+s28+$0x0] =	vst.idx.msk $0xffff, v29;
	v58 =	vadd.s32 s18, v7;
	v57 =	vld.idx.msk [tilespmem:v48+s15+$0x0], $0xffff  }
0x189: {  	v54 =	vadd.s32 s21, v15;
	v59 =	vor.u32 $0x8, v20;
	[tilespmem:v49+s28+$0x0] =	vst.idx.msk $0xffff, v38  }
0x18a: {  	v60 =	vadd.s32 s20, v7;
	v31 =	vld.idx.msk [tilespmem:v50+s15+$0x0], $0xffff;
	[tilespmem:v52+s28+$0x0] =	vst.idx.msk $0xffff, v51  }
0x18b: {  	v61 =	vor.u32 $0x8, v21;
	[tilespmem:v55+s28+$0x0] =	vst.idx.msk $0xffff, v23;
	v62 =	vadd.s32 s22, v7;
	v29 =	vld.idx.msk [tilespmem:v53+s15+$0x0], $0xffff  }
0x18c: {  	[tilespmem:v30+s28+$0x0] =	vst.idx.msk $0xffff, v26;
	v42 =	vor.u32 $0x8, v22;
	v46 =	vadd.s32 s0, v8;
	v24 =	vld.idx.msk [tilespmem:v56+s15+$0x0], $0xffff  }
0x18d: {  	v28 =	vld.idx.msk [tilespmem:v28+s15+$0x0], $0xffff;
	v47 =	vor.u32 $0x9, v19;
	[tilespmem:v58+s28+$0x0] =	vst.idx.msk $0xffff, v57;
	v63 =	vadd.s32 s1, v8  }
0x18e: {  	v45 =	vor.u32 $0x9, v17;
	[tilespmem:v54+s28+$0x0] =	vst.idx.msk $0xffff, v27;
	v48 =	vadd.s32 s18, v8;
	v36 =	vld.idx.msk [tilespmem:v59+s15+$0x0], $0xffff  }
0x18f: {  	v25 =	vld.idx.msk [tilespmem:v25+s15+$0x0], $0xffff;
	v44 =	vadd.s32 s17, v13;
	v49 =	vor.u32 $0x9, v20;
	[tilespmem:v60+s28+$0x0] =	vst.idx.msk $0xffff, v31  }
0x190: {  	v43 =	vor.u32 $0xB, v16;
	v50 =	vadd.s32 s20, v8;
	v26 =	vld.idx.msk [tilespmem:v61+s15+$0x0], $0xffff;
	[tilespmem:v62+s28+$0x0] =	vst.idx.msk $0xffff, v29  }
0x191: {  	[tilespmem:v46+s28+$0x0] =	vst.idx.msk $0xffff, v24;
	v51 =	vor.u32 $0x9, v21;
	v52 =	vadd.s32 s22, v8;
	v27 =	vld.idx.msk [tilespmem:v42+s15+$0x0], $0xffff  }
0x192: {  	v59 =	vadd.s32 s0, v9;
	v55 =	vor.u32 $0x9, v22;
	[tilespmem:v63+s28+$0x0] =	vst.idx.msk $0xffff, v28;
	v32 =	vld.idx.msk [tilespmem:v47+s15+$0x0], $0xffff  }
0x193: {  	v57 =	vadd.s32 s1, v9;
	[tilespmem:v48+s28+$0x0] =	vst.idx.msk $0xffff, v36;
	v60 =	vor.u32 $0xA, v19;
	v23 =	vld.idx.msk [tilespmem:v45+s15+$0x0], $0xffff  }
0x194: {  	[tilespmem:v44+s28+$0x0] =	vst.idx.msk $0xffff, v25;
	v58 =	vor.u32 $0xA, v17;
	v31 =	vld.idx.msk [tilespmem:v49+s15+$0x0], $0xffff;
	v61 =	vadd.s32 s18, v9  }
0x195: {  	v54 =	vadd.s32 s31, v11;
	v56 =	vor.u32 $0xE, v18;
	v53 =	vld.idx.msk [tilespmem:v43+s15+$0x0], $0xffff;
	[tilespmem:v50+s28+$0x0] =	vst.idx.msk $0xffff, v26  }
0x196: {  	v63 =	vadd.s32 s20, v9;
	v28 =	vld.idx.msk [tilespmem:v51+s15+$0x0], $0xffff;
	v62 =	vor.u32 $0xA, v20;
	[tilespmem:v52+s28+$0x0] =	vst.idx.msk $0xffff, v27  }
0x197: {  	v43 =	vadd.s32 s22, v9;
	[tilespmem:v59+s28+$0x0] =	vst.idx.msk $0xffff, v32;
	v42 =	vor.u32 $0xA, v21;
	v25 =	vld.idx.msk [tilespmem:v55+s15+$0x0], $0xffff  }
0x198: {  	v46 =	vor.u32 $0xA, v22;
	v50 =	vadd.s32 s0, v10;
	[tilespmem:v57+s28+$0x0] =	vst.idx.msk $0xffff, v23;
	v35 =	vld.idx.msk [tilespmem:v60+s15+$0x0], $0xffff  }
0x199: {  	v48 =	vadd.s32 s1, v10;
	[tilespmem:v61+s28+$0x0] =	vst.idx.msk $0xffff, v31;
	v51 =	vor.u32 $0xB, v19;
	v24 =	vld.idx.msk [tilespmem:v58+s15+$0x0], $0xffff  }
0x19a: {  	v49 =	vor.u32 $0xB, v17;
	v44 =	vld.idx.msk [tilespmem:v56+s15+$0x0], $0xffff;
	v45 =	vadd.s32 s17, v14;
	[tilespmem:v54+s28+$0x0] =	vst.idx.msk $0xffff, v53  }
0x19b: {  	v47 =	vor.u32 $0xC, v16;
	[tilespmem:v63+s28+$0x0] =	vst.idx.msk $0xffff, v28;
	v26 =	vld.idx.msk [tilespmem:v62+s15+$0x0], $0xffff;
	v52 =	vadd.s32 s18, v10  }
0x19c: {  	v53 =	vor.u32 $0xB, v20;
	v54 =	vadd.s32 s20, v10;
	v27 =	vld.idx.msk [tilespmem:v42+s15+$0x0], $0xffff;
	[tilespmem:v43+s28+$0x0] =	vst.idx.msk $0xffff, v25  }
0x19d: {  	v56 =	vadd.s32 s22, v10;
	[tilespmem:v50+s28+$0x0] =	vst.idx.msk $0xffff, v35;
	v55 =	vor.u32 $0xB, v21;
	v23 =	vld.idx.msk [tilespmem:v46+s15+$0x0], $0xffff  }
0x19e: {  	v59 =	vor.u32 $0xB, v22;
	v63 =	vadd.s32 s0, v11;
	[tilespmem:v48+s28+$0x0] =	vst.idx.msk $0xffff, v24;
	v31 =	vld.idx.msk [tilespmem:v51+s15+$0x0], $0xffff  }
0x19f: {  	v40 =	vor.u32 $0xC, v19;
	v61 =	vadd.s32 s1, v11;
	[tilespmem:v45+s28+$0x0] =	vst.idx.msk $0xffff, v44;
	v32 =	vld.idx.msk [tilespmem:v49+s15+$0x0], $0xffff  }
0x1a0: {  	v57 =	vld.idx.msk [tilespmem:v47+s15+$0x0], $0xffff;
	v58 =	vadd.s32 s31, v12;
	v62 =	vor.u32 $0xC, v17;
	[tilespmem:v52+s28+$0x0] =	vst.idx.msk $0xffff, v26  }
0x1a1: {  	v41 =	vadd.s32 s18, v11;
	v60 =	vor.u32 $0xF, v18;
	[tilespmem:v54+s28+$0x0] =	vst.idx.msk $0xffff, v27;
	v28 =	vld.idx.msk [tilespmem:v53+s15+$0x0], $0xffff  }
0x1a2: {  	v42 =	vor.u32 $0xC, v20;
	v25 =	vld.idx.msk [tilespmem:v55+s15+$0x0], $0xffff;
	v43 =	vadd.s32 s20, v11;
	[tilespmem:v56+s28+$0x0] =	vst.idx.msk $0xffff, v23  }
0x1a3: {  	v44 =	vor.u32 $0xC, v21;
	v45 =	vadd.s32 s22, v11;
	[tilespmem:v63+s28+$0x0] =	vst.idx.msk $0xffff, v31;
	v24 =	vld.idx.msk [tilespmem:v59+s15+$0x0], $0xffff  }
0x1a4: {  	v47 =	vor.u32 $0xC, v22;
	v51 =	vadd.s32 s0, v12;
	[tilespmem:v61+s28+$0x0] =	vst.idx.msk $0xffff, v32;
	v26 =	vld.idx.msk [tilespmem:v40+s15+$0x0], $0xffff  }
0x1a5: {  	[tilespmem:v58+s28+$0x0] =	vst.idx.msk $0xffff, v57;
	v48 =	vor.u32 $0xD, v16;
	v49 =	vadd.s32 s1, v12;
	v34 =	vld.idx.msk [tilespmem:v62+s15+$0x0], $0xffff  }
0x1a6: {  	v18 =	vld.idx.msk [tilespmem:v60+s15+$0x0], $0xffff;
	v50 =	vor.u32 $0xD, v17;
	v46 =	vadd.s32 s17, v15;
	[tilespmem:v41+s28+$0x0] =	vst.idx.msk $0xffff, v28  }
0x1a7: {  	v52 =	vor.u32 $0xD, v19;
	v53 =	vadd.s32 s18, v12;
	[tilespmem:v43+s28+$0x0] =	vst.idx.msk $0xffff, v25;
	v27 =	vld.idx.msk [tilespmem:v42+s15+$0x0], $0xffff  }
0x1a8: {  	v54 =	vor.u32 $0xD, v20;
	v55 =	vadd.s32 s20, v12;
	v23 =	vld.idx.msk [tilespmem:v44+s15+$0x0], $0xffff;
	[tilespmem:v45+s28+$0x0] =	vst.idx.msk $0xffff, v24  }
0x1a9: {  	v57 =	vadd.s32 s22, v12;
	[tilespmem:v51+s28+$0x0] =	vst.idx.msk $0xffff, v26;
	v56 =	vor.u32 $0xD, v21;
	v24 =	vld.idx.msk [tilespmem:v47+s15+$0x0], $0xffff  }
0x1aa: {  	v60 =	vor.u32 $0xD, v22;
	v58 =	vld.idx.msk [tilespmem:v48+s15+$0x0], $0xffff;
	[tilespmem:v49+s28+$0x0] =	vst.idx.msk $0xffff, v34;
	v59 =	vadd.s32 s31, v13  }
0x1ab: {  	v61 =	vor.u32 $0xE, v16;
	v62 =	vadd.s32 s1, v13;
	[tilespmem:v46+s28+$0x0] =	vst.idx.msk $0xffff, v18;
	v31 =	vld.idx.msk [tilespmem:v50+s15+$0x0], $0xffff  }
0x1ac: {  	v63 =	vor.u32 $0xE, v17;
	v40 =	vadd.s32 s0, v13;
	v28 =	vld.idx.msk [tilespmem:v52+s15+$0x0], $0xffff;
	[tilespmem:v53+s28+$0x0] =	vst.idx.msk $0xffff, v27  }
0x1ad: {  	v41 =	vor.u32 $0xE, v19;
	v42 =	vadd.s32 s18, v13;
	[tilespmem:v55+s28+$0x0] =	vst.idx.msk $0xffff, v23;
	v25 =	vld.idx.msk [tilespmem:v54+s15+$0x0], $0xffff  }
0x1ae: {  	v43 =	vor.u32 $0xE, v20;
	v44 =	vadd.s32 s20, v13;
	v18 =	vld.idx.msk [tilespmem:v56+s15+$0x0], $0xffff;
	[tilespmem:v57+s28+$0x0] =	vst.idx.msk $0xffff, v24  }
0x1af: {  	v46 =	vadd.s32 s22, v13;
	[tilespmem:v59+s28+$0x0] =	vst.idx.msk $0xffff, v58;
	v45 =	vor.u32 $0xE, v21;
	v29 =	vld.idx.msk [tilespmem:v60+s15+$0x0], $0xffff  }
0x1b0: {  	v48 =	vor.u32 $0xE, v22;
	[tilespmem:v62+s28+$0x0] =	vst.idx.msk $0xffff, v31;
	v32 =	vld.idx.msk [tilespmem:v61+s15+$0x0], $0xffff;
	v47 =	vadd.s32 s31, v14  }
0x1b1: {  	v16 =	vor.u32 $0xF, v16;
	v49 =	vadd.s32 s1, v14;
	[tilespmem:v40+s28+$0x0] =	vst.idx.msk $0xffff, v28;
	v26 =	vld.idx.msk [tilespmem:v63+s15+$0x0], $0xffff  }
0x1b2: {  	v17 =	vor.u32 $0xF, v17;
	v50 =	vadd.s32 s0, v14;
	v27 =	vld.idx.msk [tilespmem:v41+s15+$0x0], $0xffff;
	[tilespmem:v42+s28+$0x0] =	vst.idx.msk $0xffff, v25  }
0x1b3: {  	v51 =	vor.u32 $0xF, v19;
	v52 =	vadd.s32 s18, v14;
	[tilespmem:v44+s28+$0x0] =	vst.idx.msk $0xffff, v18;
	v23 =	vld.idx.msk [tilespmem:v43+s15+$0x0], $0xffff  }
0x1b4: {  	v53 =	vor.u32 $0xF, v20;
	v55 =	vadd.s32 s20, v14;
	v54 =	vld.idx.msk [tilespmem:v45+s15+$0x0], $0xffff;
	[tilespmem:v46+s28+$0x0] =	vst.idx.msk $0xffff, v29  }
0x1b5: {  	v56 =	vor.u32 $0xF, v21;
	[tilespmem:v47+s28+$0x0] =	vst.idx.msk $0xffff, v32;
	v57 =	vadd.s32 s22, v14;
	v29 =	vld.idx.msk [tilespmem:v48+s15+$0x0], $0xffff  }
0x1b6: {  	v22 =	vor.u32 $0xF, v22;
	v58 =	vadd.s32 s31, v15;
	[tilespmem:v49+s28+$0x0] =	vst.idx.msk $0xffff, v26;
	v16 =	vld.idx.msk [tilespmem:v16+s15+$0x0], $0xffff  }
0x1b7: {  	v59 =	vadd.s32 s1, v15;
	[tilespmem:v50+s28+$0x0] =	vst.idx.msk $0xffff, v27;
	v17 =	vld.idx.msk [tilespmem:v17+s15+$0x0], $0xffff  }
0x1b8: {  	v19 =	vld.idx.msk [tilespmem:v51+s15+$0x0], $0xffff;
	v60 =	vadd.s32 s0, v15;
	[tilespmem:v52+s28+$0x0] =	vst.idx.msk $0xffff, v23  }
0x1b9: {  	v61 =	vadd.s32 s18, v15;
	[tilespmem:v55+s28+$0x0] =	vst.idx.msk $0xffff, v54;
	v18 =	vld.idx.msk [tilespmem:v53+s15+$0x0], $0xffff  }
0x1ba: {  	v62 =	vadd.s32 s20, v15;
	v20 =	vld.idx.msk [tilespmem:v56+s15+$0x0], $0xffff;
	[tilespmem:v57+s28+$0x0] =	vst.idx.msk $0xffff, v29  }
0x1bb: {  	v63 =	vadd.s32 s22, v15;
	[tilespmem:v58+s28+$0x0] =	vst.idx.msk $0xffff, v16;
	v16 =	vld.idx.msk [tilespmem:v22+s15+$0x0], $0xffff  }
0x1bc: {  	[tilespmem:v59+s28+$0x0] =	vst.idx.msk $0xffff, v17  }
0x1bd: {  	[tilespmem:v60+s28+$0x0] =	vst.idx.msk $0xffff, v19  }
0x1be: {  	[tilespmem:v61+s28+$0x0] =	vst.idx.msk $0xffff, v18  }
0x1bf: {  	[tilespmem:v62+s28+$0x0] =	vst.idx.msk $0xffff, v20  }
0x1c0: {  	[tilespmem:v63+s28+$0x0] =	vst.idx.msk $0xffff, v16  }
0x1c1: {  	_ =	swait.ge [sflag:s24], $0x620  }
0x1c2: {  	[sflag:s24] =	ssyncset.done $0x0  }
0x1c3: {  	[sflag:s24] =	ssyncadd.s32 $0xFFFFF9E0  }
0x1c4: {  	_ =	swait.ge [sflag:s24], $0x620  }
0x1c5: {  	[sflag:s24] =	ssyncset.done $0x0  }
0x1c6: {  	[sflag:s24] =	ssyncadd.s32 $0xFFFFF9E0  }
0x1c7: {  	_ =	swait.ge [sflag:s24], $0x3D40  }
0x1c8: {  	[sflag:s24] =	ssyncset.done $0x0  }
0x1c9: {  	s30 =	sadd.s32 $0x1, s30;
	[sflag:s24] =	ssyncadd.s32 $0xFFFFC2C0  }
0x1ca: {  	[hbm4b:s13+s16] =	stream.strided.scatter [tilespmem:s28], [sflag:$0x3], $0xAB80, s19, s16, $0x38;
	[tilespmem:$0x163E0] =	vst v63  }
0x1cb: {  	p0 =	sne.s32 s30, s14;
	_ =	swait.ge [sflag:s29], $0xAB80  }
.Ltmp2:
0x1cc: {  	[sflag:s29] =	ssyncset.done $0x0;
	(pc) =	sbr.rel @p0 .LBB2_1-.Ltmp2, $4  }
0x1cd: {  	[sflag:s29] =	ssyncadd.s32 $0xFFFF5480  }
0x1ce: {  	_ =	swait.ge [sflag:s29], $0xAB80  }
0x1cf: {  	[sflag:s29] =	ssyncset.done $0x0  }
0x1d0: {  	[sflag:s29] =	ssyncadd.s32 $0xFFFF5480  }
0x1d1: {  	_ =	sfence.sel $0x180000  }
0x1d2: {  	[bflag:$0x0] =	sbarrier.arrive $0xFFFF  }
0x1d3: {  	_ =	strace $0x90000047  }
0x1d4: {  	s0 =	stileid.u32;
	[bflag:$0x2] =	sbarrier.arrive $0xFFFF  }
0x1d5: {  	p0 =	sne.s32 s0, $0x0;
	s0 =	rddreg [dreg:$0x3]  }
0x1d6: {  	s0 =	sadd.s32 @!p0 $0x100000, s0  }
0x1d7: {  	[sflag:s0] =	ssyncadd.tile.s32 @!p0 $0x1;
	_ =	shalt  }
.Lfunc_end2:
_tile_overlayer_lowered:
.L_overlay_start_2:
0x1d8: {  	(tag) =	ssettag $0x2  }
0x1d9: {  	s0 =	rddreg [dreg:$0x0];
	s2 =	stileid.u32  }
0x1da: {  	s1 =	rddreg [dreg:$0x1];
	p0 =	sne.s32 s2, $0x0  }
0x1db: {  	s3 =	rddreg [dreg:$0x2];
	[bflag:$0x3] =	sbarrier.arrive $0xFFFF;
	s2 =	simm.s32 @!p0 $0x1C04  }
0x1dc: {  	[timem:s3], [sflag:s2] =	dma.local @!p0 [hbm:s0], s1  }
0x1dd: {  	s0 =	simm.s32 @!p0 $0x4  }
0x1de: {  	_ =	swait.ge @!p0 [sflag:s0], s1  }
0x1df: {  	s1 =	ssub.s32 @!p0 $0x0, s1;
	[sflag:s0] =	ssyncset.done @!p0 $0x0  }
0x1e0: {  	[sflag:s0] =	ssyncadd.s32 @!p0 s1  }
0x1e1: {  	[bflag:$0x3] =	sbarrier.arrive $0xFFFF  }
0x1e2: {  	_ =	shalt  }

</sc_bundles>
